<compile_context>
chip_gen: v7x
topology: tpu7x:2x2x1
jax: 0.10.2.dev20260603
libtpu: 0.0.44.dev20260713+nightly
codegen_flags: <defaults>
</compile_context>

<pallas_src>
import functools

import jax
import jax.numpy as jnp
from jax import lax
from jax.experimental import pallas as pl
from jax.experimental.pallas import tpu as pltpu
from jax.experimental.pallas import tpu_sc as plsc

VOCAB = 100000
EMB = 64
B = 4096
L = 200
N_CLASSES = 20
DP = 32
PACK = 128 // DP
NC = 2
NS = 16
NW = NC * NS
SEQ_PER_W = B // NW
STEP = 1
N_STEPS = L // STEP
NBUF = 10


_ROWS_BLK = 8192


_CHUNK = _ROWS_BLK // PACK
_CH_BITS = _CHUNK.bit_length() - 1
_NBLK = (VOCAB + _ROWS_BLK - 1) // _ROWS_BLK
_VPAD = _NBLK * _ROWS_BLK


def _proj_body(tblt_ref, wt4_ref, out_ref):
    t = tblt_ref[...]
    acc = None
    for k in range(PACK):
        p = lax.dot_general(t[:, k * _CHUNK:(k + 1) * _CHUNK],
                            wt4_ref[...][k * EMB:(k + 1) * EMB, :],
                            (((0,), (0,)), ((), ())),
                            preferred_element_type=jnp.float32)
        acc = p if acc is None else acc + p
    out_ref[...] = acc

    @pl.when(pl.program_id(0) == 0)
    def _zero_row0():
        out_ref[0:1, 0:DP] = jnp.zeros((1, DP), jnp.float32)


def _compute_proj(tablet, wt4):
    return pl.pallas_call(
        _proj_body,
        grid=(_NBLK,),
        in_specs=[
            pl.BlockSpec((EMB, _ROWS_BLK), lambda i: (0, i)),
            pl.BlockSpec((PACK * EMB, 128), lambda i: (0, 0)),
        ],
        out_specs=pl.BlockSpec((_CHUNK, 128), lambda i: (i, 0)),
        out_shape=jax.ShapeDtypeStruct((_VPAD // PACK, 128), jnp.float32),
        compiler_params=pltpu.CompilerParams(fuse_transposed_lhs_in_matmul=True),
    )(tablet, wt4)


_sc_mesh = plsc.VectorSubcoreMesh(core_axis_name="c", subcore_axis_name="s",
                                  num_cores=NC, num_subcores=NS)


@functools.partial(
    pl.kernel,
    out_type=jax.ShapeDtypeStruct((B, 128), jnp.float32),
    mesh=_sc_mesh,
    scratch_types=[
        pltpu.VMEM((L, SEQ_PER_W), jnp.int32),
        pltpu.VMEM((SEQ_PER_W,), jnp.int32),
        pltpu.VMEM((NBUF, SEQ_PER_W, DP), jnp.float32),
        pltpu.VMEM((SEQ_PER_W, DP), jnp.float32),
        pltpu.VMEM_SHARED((B, DP), jnp.float32),
        pltpu.SemaphoreType.DMA((NBUF,)),
        pltpu.SemaphoreType.DMA((NBUF,)),
    ],
    compiler_params=pltpu.CompilerParams(use_tc_tiling_on_sc=False),
)
def _sc_gather_sum(proj_hbm, tokt_hbm, pat_hbm, zeros_hbm, acc_hbm,
                   tok_v, pat_v, rows_v, stage_v, acc_sh, gsem, ssem):
    c = lax.axis_index("c")
    s = lax.axis_index("s")
    wid = c * NS + s
    seq_base = wid * SEQ_PER_W

    pltpu.sync_copy(tokt_hbm.at[:, pl.ds(seq_base, SEQ_PER_W)], tok_v)
    pltpu.sync_copy(pat_hbm.at[wid], pat_v)

    pltpu.sync_copy(zeros_hbm, stage_v)
    pltpu.sync_copy(stage_v, acc_sh.at[pl.ds(seq_base, SEQ_PER_W)])

    def _gather(g, b):
        pltpu.async_copy(proj_hbm.at[tok_v.at[g]], rows_v.at[b], gsem.at[b])

    def _gather_wait(g, b):
        pltpu.make_async_copy(proj_hbm.at[tok_v.at[g]], rows_v.at[b],
                              gsem.at[b]).wait()

    def _scatter(b):
        pltpu.async_copy(rows_v.at[b], acc_sh.at[pat_v], ssem.at[b],
                         add=True)

    def _scatter_wait(b):
        pltpu.make_async_copy(rows_v.at[b], acc_sh.at[pat_v],
                              ssem.at[b]).wait()

    for b in range(NBUF):
        _gather(b, b)

    def _step(i, carry):
        base = i * NBUF
        for b in range(NBUF):
            _gather_wait(base + b, b)
            _scatter(b)
        for b in range(NBUF):
            _scatter_wait(b)
            _gather(base + NBUF + b, b)
        return carry

    lax.fori_loop(0, N_STEPS // NBUF - 1, _step, 0, unroll=False)

    last = N_STEPS - NBUF
    for b in range(NBUF):
        _gather_wait(last + b, b)
        _scatter(b)
    for b in range(NBUF):
        _scatter_wait(b)

    pltpu.sync_copy(acc_sh.at[pl.ds(seq_base, SEQ_PER_W)], stage_v)
    pltpu.sync_copy(stage_v,
                    acc_hbm.at[pl.ds(seq_base, SEQ_PER_W), pl.ds(0, DP)])


def _fin_body(acc_ref, len_ref, b_ref, out_ref):
    out_ref[...] = acc_ref[:, :N_CLASSES] / len_ref[...] + b_ref[...]


def _finalize(acc, length_f32, bias):
    return pl.pallas_call(
        _fin_body,
        out_shape=jax.ShapeDtypeStruct((B, N_CLASSES), jnp.float32),
    )(acc, length_f32, bias)


def kernel(data, length, table, W, b):
    wtp = jnp.zeros((EMB, DP), jnp.float32).at[:, :N_CLASSES].set(W.T)
    wt4 = jnp.kron(jnp.eye(PACK, dtype=jnp.float32), wtp)
    proj = _compute_proj(jnp.swapaxes(table, 0, 1), wt4)
    tokt = jnp.swapaxes(data.astype(jnp.int32), 0, 1)
    tokt = ((tokt & ~(_ROWS_BLK - 1))
            | ((tokt & (_CHUNK - 1)) << 2)
            | ((tokt & (_ROWS_BLK - 1)) >> _CH_BITS))
    pat = jnp.arange(B, dtype=jnp.int32).reshape(NW, SEQ_PER_W)
    zeros = jnp.zeros((SEQ_PER_W, DP), jnp.float32)
    acc = _sc_gather_sum(proj.reshape(_VPAD, DP), tokt, pat, zeros)
    out = _finalize(acc, length.astype(jnp.float32).reshape(B, 1),
                    b.reshape(1, N_CLASSES))
    return out

# --- scband reference (transcript-rebuilt; emitter-appended) ---
"""Pipeline reference for scband-bag-of-ngrams-3229815407031 (READ-ONLY COPY).

The authoritative reference and input builder live on the scoring server;
editing this copy changes nothing except your own understanding.
"""

import jax, jax.numpy as jnp
import numpy as np

VOCAB = 100000
EMB = 64
B = 4096
L = 200
N_CLASSES = 20


def setup_inputs(seed: int = 0) -> dict:
    key = jax.random.key(seed)
    k1, k2, k3, k4 = jax.random.split(key, 4)
    data = jax.random.randint(k1, (B, L), 0, VOCAB)
    # lengths must be >= 1 to avoid division by zero (matches non-trivial sentence lengths)
    length = jax.random.randint(k2, (B,), 1, L)
    table = jax.random.normal(k3, (VOCAB, EMB), dtype=jnp.float32) * 0.02
    table = table.at[0].set(0.0)  # padding_idx=0
    W = jax.random.normal(k4, (N_CLASSES, EMB), dtype=jnp.float32) * 0.02
    b = jnp.zeros((N_CLASSES,), dtype=jnp.float32)
    return {"data": data, "length": length, "table": table, "W": W, "b": b}


def reference(data, length, table, W, b):
    # nn.Embedding with padding_idx=0: row 0 is zero
    t = table.at[0].set(0.0)
    emb = jnp.take(t, data, axis=0)                 # [B, L, EMB] gather
    out = jnp.sum(emb, axis=1)                      # sum over sequence
    out = out / length[:, None].astype(jnp.float32)  # mean by true length
    out = out @ W.T + b                             # linear to 20 classes
    return out

if __name__ == "__main__":
    import jax
    _d = setup_inputs()
    print(jax.jit(kernel)(*tuple(_d.values())))

</pallas_src>

<mosaic_0001>
#map = affine_map<(d0, d1) -> (0, 0)>
module attributes {stable_mosaic.version = 14 : i64} {
  func.func @_sc_gather_sum(%arg0: i32, %arg1: i32, %arg2: memref<106496x32xf32, #tpu.memory_space<hbm>>, %arg3: memref<200x4096xi32, #tpu.memory_space<hbm>>, %arg4: memref<32x128xi32, #tpu.memory_space<hbm>>, %arg5: memref<128x32xf32, #tpu.memory_space<hbm>>, %arg6: memref<4096x128xf32, #tpu.memory_space<hbm>>, %arg7: memref<200x128xi32, #tpu.memory_space<vmem>>, %arg8: memref<128xi32, #tpu.memory_space<vmem>>, %arg9: memref<10x128x32xf32, #tpu.memory_space<vmem>>, %arg10: memref<128x32xf32, #tpu.memory_space<vmem>>, %arg11: memref<4096x32xf32, #tpu.memory_space<vmem_shared>>, %arg12: memref<10x!tpu.dma_semaphore, #tpu.memory_space<semaphore_mem>>, %arg13: memref<10x!tpu.dma_semaphore, #tpu.memory_space<semaphore_mem>>) attributes {dimension_semantics = [#tpu.dimension_semantics<core_parallel>, #tpu.dimension_semantics<subcore_parallel>], iteration_bounds = array<i64: 2, 16>, scalar_prefetch = 0 : i64, scratch_operands = 7 : i64, tpu.core_type = #tpu.core_type<sc_vector_subcore>, window_params = [{transform_indices = #map}, {transform_indices = #map}, {transform_indices = #map}, {transform_indices = #map}, {transform_indices = #map}]} {
    %mul3A = arith.constant 16 : i32
    %mul3A_0 = arith.muli %arg0, %mul3A : i32
    %add3A = arith.addi %mul3A_0, %arg1 : i32
    %mul3A_1 = arith.constant 128 : i32
    %mul3A_2 = arith.muli %add3A, %mul3A_1 : i32
    "tpu.region"() ({
      %run_scoped3A = tpu.sem_alloc : memref<!tpu.dma_semaphore, #tpu.memory_space<semaphore_mem>>
      %dma_start3A_526 = arith.constant 0 : i32
      %dma_start3A_527 = tpu.memref_slice %arg3[%dma_start3A_526, %mul3A_2] : memref<200x4096xi32, #tpu.memory_space<hbm>> -> memref<200x128xi32, #tpu.memory_space<hbm>>
      %dma_start3A_528 = arith.constant 0 : i32
      %dma_start3A_529 = tpu.memref_slice %arg3[%dma_start3A_528, %mul3A_2] : memref<200x4096xi32, #tpu.memory_space<hbm>> -> memref<200x128xi32, #tpu.memory_space<hbm>>
      tpu.enqueue_dma source(%dma_start3A_529 : memref<200x128xi32, #tpu.memory_space<hbm>>) target(%arg7 : memref<200x128xi32, #tpu.memory_space<vmem>>) target_semaphore(%run_scoped3A : memref<!tpu.dma_semaphore, #tpu.memory_space<semaphore_mem>>)
      %dma_wait3A_530 = arith.constant 0 : i32
      %dma_wait3A_531 = tpu.memref_slice %arg3[%dma_wait3A_530, %mul3A_2] : memref<200x4096xi32, #tpu.memory_space<hbm>> -> memref<200x128xi32, #tpu.memory_space<hbm>>
      %dma_wait3A_532 = arith.constant 0 : i32
      %dma_wait3A_533 = tpu.memref_slice %arg3[%dma_wait3A_532, %mul3A_2] : memref<200x4096xi32, #tpu.memory_space<hbm>> -> memref<200x128xi32, #tpu.memory_space<hbm>>
      tpu.wait_dma2 semaphore(%run_scoped3A : memref<!tpu.dma_semaphore, #tpu.memory_space<semaphore_mem>>) src(%dma_wait3A_533 : memref<200x128xi32, #tpu.memory_space<hbm>>) dst(%arg7 : memref<200x128xi32, #tpu.memory_space<vmem>>)
      tpu.yield
    }) : () -> ()
    "tpu.region"() ({
      %run_scoped3A = tpu.sem_alloc : memref<!tpu.dma_semaphore, #tpu.memory_space<semaphore_mem>>
      %dma_start3A_526 = arith.constant 0 : i32
      %dma_start3A_527 = tpu.memref_slice %arg4[%add3A, %dma_start3A_526] : memref<32x128xi32, #tpu.memory_space<hbm>> -> memref<1x128xi32, #tpu.memory_space<hbm>>
      %dma_start3A_528 = tpu.memref_squeeze %dma_start3A_527 : memref<1x128xi32, #tpu.memory_space<hbm>> -> memref<128xi32, #tpu.memory_space<hbm>>
      %dma_start3A_529 = arith.constant 0 : i32
      %dma_start3A_530 = tpu.memref_slice %arg4[%add3A, %dma_start3A_529] : memref<32x128xi32, #tpu.memory_space<hbm>> -> memref<1x128xi32, #tpu.memory_space<hbm>>
      %dma_start3A_531 = tpu.memref_squeeze %dma_start3A_530 : memref<1x128xi32, #tpu.memory_space<hbm>> -> memref<128xi32, #tpu.memory_space<hbm>>
      tpu.enqueue_dma source(%dma_start3A_531 : memref<128xi32, #tpu.memory_space<hbm>>) target(%arg8 : memref<128xi32, #tpu.memory_space<vmem>>) target_semaphore(%run_scoped3A : memref<!tpu.dma_semaphore, #tpu.memory_space<semaphore_mem>>)
      %dma_wait3A_532 = arith.constant 0 : i32
      %dma_wait3A_533 = tpu.memref_slice %arg4[%add3A, %dma_wait3A_532] : memref<32x128xi32, #tpu.memory_space<hbm>> -> memref<1x128xi32, #tpu.memory_space<hbm>>
      %dma_wait3A_534 = tpu.memref_squeeze %dma_wait3A_533 : memref<1x128xi32, #tpu.memory_space<hbm>> -> memref<128xi32, #tpu.memory_space<hbm>>
      %dma_wait3A_535 = arith.constant 0 : i32
      %dma_wait3A_536 = tpu.memref_slice %arg4[%add3A, %dma_wait3A_535] : memref<32x128xi32, #tpu.memory_space<hbm>> -> memref<1x128xi32, #tpu.memory_space<hbm>>
      %dma_wait3A_537 = tpu.memref_squeeze %dma_wait3A_536 : memref<1x128xi32, #tpu.memory_space<hbm>> -> memref<128xi32, #tpu.memory_space<hbm>>
      tpu.wait_dma2 semaphore(%run_scoped3A : memref<!tpu.dma_semaphore, #tpu.memory_space<semaphore_mem>>) src(%dma_wait3A_537 : memref<128xi32, #tpu.memory_space<hbm>>) dst(%arg8 : memref<128xi32, #tpu.memory_space<vmem>>)
      tpu.yield
    }) : () -> ()
    "tpu.region"() ({
      %run_scoped3A = tpu.sem_alloc : memref<!tpu.dma_semaphore, #tpu.memory_space<semaphore_mem>>
      tpu.enqueue_dma source(%arg5 : memref<128x32xf32, #tpu.memory_space<hbm>>) target(%arg10 : memref<128x32xf32, #tpu.memory_space<vmem>>) target_semaphore(%run_scoped3A : memref<!tpu.dma_semaphore, #tpu.memory_space<semaphore_mem>>)
      tpu.wait_dma2 semaphore(%run_scoped3A : memref<!tpu.dma_semaphore, #tpu.memory_space<semaphore_mem>>) src(%arg5 : memref<128x32xf32, #tpu.memory_space<hbm>>) dst(%arg10 : memref<128x32xf32, #tpu.memory_space<vmem>>)
      tpu.yield
    }) : () -> ()
    "tpu.region"() ({
      %run_scoped3A = tpu.sem_alloc : memref<!tpu.dma_semaphore, #tpu.memory_space<semaphore_mem>>
      %dma_start3A_526 = arith.constant 0 : i32
      %dma_start3A_527 = tpu.memref_slice %arg11[%mul3A_2, %dma_start3A_526] : memref<4096x32xf32, #tpu.memory_space<vmem_shared>> -> memref<128x32xf32, #tpu.memory_space<vmem_shared>>
      %dma_start3A_528 = arith.constant 0 : i32
      %dma_start3A_529 = tpu.memref_slice %arg11[%mul3A_2, %dma_start3A_528] : memref<4096x32xf32, #tpu.memory_space<vmem_shared>> -> memref<128x32xf32, #tpu.memory_space<vmem_shared>>
      tpu.enqueue_dma source(%arg10 : memref<128x32xf32, #tpu.memory_space<vmem>>) target(%dma_start3A_529 : memref<128x32xf32, #tpu.memory_space<vmem_shared>>) target_semaphore(%run_scoped3A : memref<!tpu.dma_semaphore, #tpu.memory_space<semaphore_mem>>)
      %dma_wait3A_530 = arith.constant 0 : i32
      %dma_wait3A_531 = tpu.memref_slice %arg11[%mul3A_2, %dma_wait3A_530] : memref<4096x32xf32, #tpu.memory_space<vmem_shared>> -> memref<128x32xf32, #tpu.memory_space<vmem_shared>>
      %dma_wait3A_532 = arith.constant 0 : i32
      %dma_wait3A_533 = tpu.memref_slice %arg11[%mul3A_2, %dma_wait3A_532] : memref<4096x32xf32, #tpu.memory_space<vmem_shared>> -> memref<128x32xf32, #tpu.memory_space<vmem_shared>>
      tpu.wait_dma2 semaphore(%run_scoped3A : memref<!tpu.dma_semaphore, #tpu.memory_space<semaphore_mem>>) src(%arg10 : memref<128x32xf32, #tpu.memory_space<vmem>>) dst(%dma_wait3A_533 : memref<128x32xf32, #tpu.memory_space<vmem_shared>>)
      tpu.yield
    }) : () -> ()
    %dma_start3A = arith.constant 0 : i32
    %dma_start3A_3 = arith.constant 0 : i32
    %dma_start3A_4 = arith.constant 0 : i32
    %dma_start3A_5 = arith.constant 0 : i32
    %dma_start3A_6 = arith.constant 0 : i32
    %dma_start3A_7 = tpu.memref_slice %arg9[%dma_start3A_3, %dma_start3A_5, %dma_start3A_6] : memref<10x128x32xf32, #tpu.memory_space<vmem>> -> memref<1x128x32xf32, #tpu.memory_space<vmem>>
    %dma_start3A_8 = tpu.memref_squeeze %dma_start3A_7 : memref<1x128x32xf32, #tpu.memory_space<vmem>> -> memref<128x32xf32, #tpu.memory_space<vmem>>
    %dma_start3A_9 = arith.constant 0 : i32
    %dma_start3A_10 = tpu.memref_slice %arg7[%dma_start3A, %dma_start3A_9] : memref<200x128xi32, #tpu.memory_space<vmem>> -> memref<1x128xi32, #tpu.memory_space<vmem>>
    %dma_start3A_11 = tpu.memref_squeeze %dma_start3A_10 : memref<1x128xi32, #tpu.memory_space<vmem>> -> memref<128xi32, #tpu.memory_space<vmem>>
    %dma_start3A_12 = arith.constant 0 : i32
    %dma_start3A_13 = arith.constant 0 : i32
    %dma_start3A_14 = tpu.memref_slice %arg2[%dma_start3A_12, %dma_start3A_13] : memref<106496x32xf32, #tpu.memory_space<hbm>> -> memref<106496x32xf32, #tpu.memory_space<hbm>>
    %dma_start3A_15 = tpu.memref_slice %arg12[%dma_start3A_4] : memref<10x!tpu.dma_semaphore, #tpu.memory_space<semaphore_mem>> -> memref<1x!tpu.dma_semaphore, #tpu.memory_space<semaphore_mem>>
    %dma_start3A_16 = tpu.memref_squeeze %dma_start3A_15 : memref<1x!tpu.dma_semaphore, #tpu.memory_space<semaphore_mem>> -> memref<!tpu.dma_semaphore, #tpu.memory_space<semaphore_mem>>
    tpu.enqueue_indirect_dma source(%dma_start3A_14 : memref<106496x32xf32, #tpu.memory_space<hbm>>) target(%dma_start3A_8 : memref<128x32xf32, #tpu.memory_space<vmem>>) offsets(%dma_start3A_11 : memref<128xi32, #tpu.memory_space<vmem>>) semaphore(%dma_start3A_16 : memref<!tpu.dma_semaphore, #tpu.memory_space<semaphore_mem>>)
    %dma_start3A_17 = arith.constant 1 : i32
    %dma_start3A_18 = arith.constant 1 : i32
    %dma_start3A_19 = arith.constant 1 : i32
    %dma_start3A_20 = arith.constant 0 : i32
    %dma_start3A_21 = arith.constant 0 : i32
    %dma_start3A_22 = tpu.memref_slice %arg9[%dma_start3A_18, %dma_start3A_20, %dma_start3A_21] : memref<10x128x32xf32, #tpu.memory_space<vmem>> -> memref<1x128x32xf32, #tpu.memory_space<vmem>>
    %dma_start3A_23 = tpu.memref_squeeze %dma_start3A_22 : memref<1x128x32xf32, #tpu.memory_space<vmem>> -> memref<128x32xf32, #tpu.memory_space<vmem>>
    %dma_start3A_24 = arith.constant 0 : i32
    %dma_start3A_25 = tpu.memref_slice %arg7[%dma_start3A_17, %dma_start3A_24] : memref<200x128xi32, #tpu.memory_space<vmem>> -> memref<1x128xi32, #tpu.memory_space<vmem>>
    %dma_start3A_26 = tpu.memref_squeeze %dma_start3A_25 : memref<1x128xi32, #tpu.memory_space<vmem>> -> memref<128xi32, #tpu.memory_space<vmem>>
    %dma_start3A_27 = arith.constant 0 : i32
    %dma_start3A_28 = arith.constant 0 : i32
    %dma_start3A_29 = tpu.memref_slice %arg2[%dma_start3A_27, %dma_start3A_28] : memref<106496x32xf32, #tpu.memory_space<hbm>> -> memref<106496x32xf32, #tpu.memory_space<hbm>>
    %dma_start3A_30 = tpu.memref_slice %arg12[%dma_start3A_19] : memref<10x!tpu.dma_semaphore, #tpu.memory_space<semaphore_mem>> -> memref<1x!tpu.dma_semaphore, #tpu.memory_space<semaphore_mem>>
    %dma_start3A_31 = tpu.memref_squeeze %dma_start3A_30 : memref<1x!tpu.dma_semaphore, #tpu.memory_space<semaphore_mem>> -> memref<!tpu.dma_semaphore, #tpu.memory_space<semaphore_mem>>
    tpu.enqueue_indirect_dma source(%dma_start3A_29 : memref<106496x32xf32, #tpu.memory_space<hbm>>) target(%dma_start3A_23 : memref<128x32xf32, #tpu.memory_space<vmem>>) offsets(%dma_start3A_26 : memref<128xi32, #tpu.memory_space<vmem>>) semaphore(%dma_start3A_31 : memref<!tpu.dma_semaphore, #tpu.memory_space<semaphore_mem>>)
    %dma_start3A_32 = arith.constant 2 : i32
    %dma_start3A_33 = arith.constant 2 : i32
    %dma_start3A_34 = arith.constant 2 : i32
    %dma_start3A_35 = arith.constant 0 : i32
    %dma_start3A_36 = arith.constant 0 : i32
    %dma_start3A_37 = tpu.memref_slice %arg9[%dma_start3A_33, %dma_start3A_35, %dma_start3A_36] : memref<10x128x32xf32, #tpu.memory_space<vmem>> -> memref<1x128x32xf32, #tpu.memory_space<vmem>>
    %dma_start3A_38 = tpu.memref_squeeze %dma_start3A_37 : memref<1x128x32xf32, #tpu.memory_space<vmem>> -> memref<128x32xf32, #tpu.memory_space<vmem>>
    %dma_start3A_39 = arith.constant 0 : i32
    %dma_start3A_40 = tpu.memref_slice %arg7[%dma_start3A_32, %dma_start3A_39] : memref<200x128xi32, #tpu.memory_space<vmem>> -> memref<1x128xi32, #tpu.memory_space<vmem>>
    %dma_start3A_41 = tpu.memref_squeeze %dma_start3A_40 : memref<1x128xi32, #tpu.memory_space<vmem>> -> memref<128xi32, #tpu.memory_space<vmem>>
    %dma_start3A_42 = arith.constant 0 : i32
    %dma_start3A_43 = arith.constant 0 : i32
    %dma_start3A_44 = tpu.memref_slice %arg2[%dma_start3A_42, %dma_start3A_43] : memref<106496x32xf32, #tpu.memory_space<hbm>> -> memref<106496x32xf32, #tpu.memory_space<hbm>>
    %dma_start3A_45 = tpu.memref_slice %arg12[%dma_start3A_34] : memref<10x!tpu.dma_semaphore, #tpu.memory_space<semaphore_mem>> -> memref<1x!tpu.dma_semaphore, #tpu.memory_space<semaphore_mem>>
    %dma_start3A_46 = tpu.memref_squeeze %dma_start3A_45 : memref<1x!tpu.dma_semaphore, #tpu.memory_space<semaphore_mem>> -> memref<!tpu.dma_semaphore, #tpu.memory_space<semaphore_mem>>
    tpu.enqueue_indirect_dma source(%dma_start3A_44 : memref<106496x32xf32, #tpu.memory_space<hbm>>) target(%dma_start3A_38 : memref<128x32xf32, #tpu.memory_space<vmem>>) offsets(%dma_start3A_41 : memref<128xi32, #tpu.memory_space<vmem>>) semaphore(%dma_start3A_46 : memref<!tpu.dma_semaphore, #tpu.memory_space<semaphore_mem>>)
    %dma_start3A_47 = arith.constant 3 : i32
    %dma_start3A_48 = arith.constant 3 : i32
    %dma_start3A_49 = arith.constant 3 : i32
    %dma_start3A_50 = arith.constant 0 : i32
    %dma_start3A_51 = arith.constant 0 : i32
    %dma_start3A_52 = tpu.memref_slice %arg9[%dma_start3A_48, %dma_start3A_50, %dma_start3A_51] : memref<10x128x32xf32, #tpu.memory_space<vmem>> -> memref<1x128x32xf32, #tpu.memory_space<vmem>>
    %dma_start3A_53 = tpu.memref_squeeze %dma_start3A_52 : memref<1x128x32xf32, #tpu.memory_space<vmem>> -> memref<128x32xf32, #tpu.memory_space<vmem>>
    %dma_start3A_54 = arith.constant 0 : i32
    %dma_start3A_55 = tpu.memref_slice %arg7[%dma_start3A_47, %dma_start3A_54] : memref<200x128xi32, #tpu.memory_space<vmem>> -> memref<1x128xi32, #tpu.memory_space<vmem>>
    %dma_start3A_56 = tpu.memref_squeeze %dma_start3A_55 : memref<1x128xi32, #tpu.memory_space<vmem>> -> memref<128xi32, #tpu.memory_space<vmem>>
    %dma_start3A_57 = arith.constant 0 : i32
    %dma_start3A_58 = arith.constant 0 : i32
    %dma_start3A_59 = tpu.memref_slice %arg2[%dma_start3A_57, %dma_start3A_58] : memref<106496x32xf32, #tpu.memory_space<hbm>> -> memref<106496x32xf32, #tpu.memory_space<hbm>>
    %dma_start3A_60 = tpu.memref_slice %arg12[%dma_start3A_49] : memref<10x!tpu.dma_semaphore, #tpu.memory_space<semaphore_mem>> -> memref<1x!tpu.dma_semaphore, #tpu.memory_space<semaphore_mem>>
    %dma_start3A_61 = tpu.memref_squeeze %dma_start3A_60 : memref<1x!tpu.dma_semaphore, #tpu.memory_space<semaphore_mem>> -> memref<!tpu.dma_semaphore, #tpu.memory_space<semaphore_mem>>
    tpu.enqueue_indirect_dma source(%dma_start3A_59 : memref<106496x32xf32, #tpu.memory_space<hbm>>) target(%dma_start3A_53 : memref<128x32xf32, #tpu.memory_space<vmem>>) offsets(%dma_start3A_56 : memref<128xi32, #tpu.memory_space<vmem>>) semaphore(%dma_start3A_61 : memref<!tpu.dma_semaphore, #tpu.memory_space<semaphore_mem>>)
    %dma_start3A_62 = arith.constant 4 : i32
    %dma_start3A_63 = arith.constant 4 : i32
    %dma_start3A_64 = arith.constant 4 : i32
    %dma_start3A_65 = arith.constant 0 : i32
    %dma_start3A_66 = arith.constant 0 : i32
    %dma_start3A_67 = tpu.memref_slice %arg9[%dma_start3A_63, %dma_start3A_65, %dma_start3A_66] : memref<10x128x32xf32, #tpu.memory_space<vmem>> -> memref<1x128x32xf32, #tpu.memory_space<vmem>>
    %dma_start3A_68 = tpu.memref_squeeze %dma_start3A_67 : memref<1x128x32xf32, #tpu.memory_space<vmem>> -> memref<128x32xf32, #tpu.memory_space<vmem>>
    %dma_start3A_69 = arith.constant 0 : i32
    %dma_start3A_70 = tpu.memref_slice %arg7[%dma_start3A_62, %dma_start3A_69] : memref<200x128xi32, #tpu.memory_space<vmem>> -> memref<1x128xi32, #tpu.memory_space<vmem>>
    %dma_start3A_71 = tpu.memref_squeeze %dma_start3A_70 : memref<1x128xi32, #tpu.memory_space<vmem>> -> memref<128xi32, #tpu.memory_space<vmem>>
    %dma_start3A_72 = arith.constant 0 : i32
    %dma_start3A_73 = arith.constant 0 : i32
    %dma_start3A_74 = tpu.memref_slice %arg2[%dma_start3A_72, %dma_start3A_73] : memref<106496x32xf32, #tpu.memory_space<hbm>> -> memref<106496x32xf32, #tpu.memory_space<hbm>>
    %dma_start3A_75 = tpu.memref_slice %arg12[%dma_start3A_64] : memref<10x!tpu.dma_semaphore, #tpu.memory_space<semaphore_mem>> -> memref<1x!tpu.dma_semaphore, #tpu.memory_space<semaphore_mem>>
    %dma_start3A_76 = tpu.memref_squeeze %dma_start3A_75 : memref<1x!tpu.dma_semaphore, #tpu.memory_space<semaphore_mem>> -> memref<!tpu.dma_semaphore, #tpu.memory_space<semaphore_mem>>
    tpu.enqueue_indirect_dma source(%dma_start3A_74 : memref<106496x32xf32, #tpu.memory_space<hbm>>) target(%dma_start3A_68 : memref<128x32xf32, #tpu.memory_space<vmem>>) offsets(%dma_start3A_71 : memref<128xi32, #tpu.memory_space<vmem>>) semaphore(%dma_start3A_76 : memref<!tpu.dma_semaphore, #tpu.memory_space<semaphore_mem>>)
    %dma_start3A_77 = arith.constant 5 : i32
    %dma_start3A_78 = arith.constant 5 : i32
    %dma_start3A_79 = arith.constant 5 : i32
    %dma_start3A_80 = arith.constant 0 : i32
    %dma_start3A_81 = arith.constant 0 : i32
    %dma_start3A_82 = tpu.memref_slice %arg9[%dma_start3A_78, %dma_start3A_80, %dma_start3A_81] : memref<10x128x32xf32, #tpu.memory_space<vmem>> -> memref<1x128x32xf32, #tpu.memory_space<vmem>>
    %dma_start3A_83 = tpu.memref_squeeze %dma_start3A_82 : memref<1x128x32xf32, #tpu.memory_space<vmem>> -> memref<128x32xf32, #tpu.memory_space<vmem>>
    %dma_start3A_84 = arith.constant 0 : i32
    %dma_start3A_85 = tpu.memref_slice %arg7[%dma_start3A_77, %dma_start3A_84] : memref<200x128xi32, #tpu.memory_space<vmem>> -> memref<1x128xi32, #tpu.memory_space<vmem>>
    %dma_start3A_86 = tpu.memref_squeeze %dma_start3A_85 : memref<1x128xi32, #tpu.memory_space<vmem>> -> memref<128xi32, #tpu.memory_space<vmem>>
    %dma_start3A_87 = arith.constant 0 : i32
    %dma_start3A_88 = arith.constant 0 : i32
    %dma_start3A_89 = tpu.memref_slice %arg2[%dma_start3A_87, %dma_start3A_88] : memref<106496x32xf32, #tpu.memory_space<hbm>> -> memref<106496x32xf32, #tpu.memory_space<hbm>>
    %dma_start3A_90 = tpu.memref_slice %arg12[%dma_start3A_79] : memref<10x!tpu.dma_semaphore, #tpu.memory_space<semaphore_mem>> -> memref<1x!tpu.dma_semaphore, #tpu.memory_space<semaphore_mem>>
    %dma_start3A_91 = tpu.memref_squeeze %dma_start3A_90 : memref<1x!tpu.dma_semaphore, #tpu.memory_space<semaphore_mem>> -> memref<!tpu.dma_semaphore, #tpu.memory_space<semaphore_mem>>
    tpu.enqueue_indirect_dma source(%dma_start3A_89 : memref<106496x32xf32, #tpu.memory_space<hbm>>) target(%dma_start3A_83 : memref<128x32xf32, #tpu.memory_space<vmem>>) offsets(%dma_start3A_86 : memref<128xi32, #tpu.memory_space<vmem>>) semaphore(%dma_start3A_91 : memref<!tpu.dma_semaphore, #tpu.memory_space<semaphore_mem>>)
    %dma_start3A_92 = arith.constant 6 : i32
    %dma_start3A_93 = arith.constant 6 : i32
    %dma_start3A_94 = arith.constant 6 : i32
    %dma_start3A_95 = arith.constant 0 : i32
    %dma_start3A_96 = arith.constant 0 : i32
    %dma_start3A_97 = tpu.memref_slice %arg9[%dma_start3A_93, %dma_start3A_95, %dma_start3A_96] : memref<10x128x32xf32, #tpu.memory_space<vmem>> -> memref<1x128x32xf32, #tpu.memory_space<vmem>>
    %dma_start3A_98 = tpu.memref_squeeze %dma_start3A_97 : memref<1x128x32xf32, #tpu.memory_space<vmem>> -> memref<128x32xf32, #tpu.memory_space<vmem>>
    %dma_start3A_99 = arith.constant 0 : i32
    %dma_start3A_100 = tpu.memref_slice %arg7[%dma_start3A_92, %dma_start3A_99] : memref<200x128xi32, #tpu.memory_space<vmem>> -> memref<1x128xi32, #tpu.memory_space<vmem>>
    %dma_start3A_101 = tpu.memref_squeeze %dma_start3A_100 : memref<1x128xi32, #tpu.memory_space<vmem>> -> memref<128xi32, #tpu.memory_space<vmem>>
    %dma_start3A_102 = arith.constant 0 : i32
    %dma_start3A_103 = arith.constant 0 : i32
    %dma_start3A_104 = tpu.memref_slice %arg2[%dma_start3A_102, %dma_start3A_103] : memref<106496x32xf32, #tpu.memory_space<hbm>> -> memref<106496x32xf32, #tpu.memory_space<hbm>>
    %dma_start3A_105 = tpu.memref_slice %arg12[%dma_start3A_94] : memref<10x!tpu.dma_semaphore, #tpu.memory_space<semaphore_mem>> -> memref<1x!tpu.dma_semaphore, #tpu.memory_space<semaphore_mem>>
    %dma_start3A_106 = tpu.memref_squeeze %dma_start3A_105 : memref<1x!tpu.dma_semaphore, #tpu.memory_space<semaphore_mem>> -> memref<!tpu.dma_semaphore, #tpu.memory_space<semaphore_mem>>
    tpu.enqueue_indirect_dma source(%dma_start3A_104 : memref<106496x32xf32, #tpu.memory_space<hbm>>) target(%dma_start3A_98 : memref<128x32xf32, #tpu.memory_space<vmem>>) offsets(%dma_start3A_101 : memref<128xi32, #tpu.memory_space<vmem>>) semaphore(%dma_start3A_106 : memref<!tpu.dma_semaphore, #tpu.memory_space<semaphore_mem>>)
    %dma_start3A_107 = arith.constant 7 : i32
    %dma_start3A_108 = arith.constant 7 : i32
    %dma_start3A_109 = arith.constant 7 : i32
    %dma_start3A_110 = arith.constant 0 : i32
    %dma_start3A_111 = arith.constant 0 : i32
    %dma_start3A_112 = tpu.memref_slice %arg9[%dma_start3A_108, %dma_start3A_110, %dma_start3A_111] : memref<10x128x32xf32, #tpu.memory_space<vmem>> -> memref<1x128x32xf32, #tpu.memory_space<vmem>>
    %dma_start3A_113 = tpu.memref_squeeze %dma_start3A_112 : memref<1x128x32xf32, #tpu.memory_space<vmem>> -> memref<128x32xf32, #tpu.memory_space<vmem>>
    %dma_start3A_114 = arith.constant 0 : i32
    %dma_start3A_115 = tpu.memref_slice %arg7[%dma_start3A_107, %dma_start3A_114] : memref<200x128xi32, #tpu.memory_space<vmem>> -> memref<1x128xi32, #tpu.memory_space<vmem>>
    %dma_start3A_116 = tpu.memref_squeeze %dma_start3A_115 : memref<1x128xi32, #tpu.memory_space<vmem>> -> memref<128xi32, #tpu.memory_space<vmem>>
    %dma_start3A_117 = arith.constant 0 : i32
    %dma_start3A_118 = arith.constant 0 : i32
    %dma_start3A_119 = tpu.memref_slice %arg2[%dma_start3A_117, %dma_start3A_118] : memref<106496x32xf32, #tpu.memory_space<hbm>> -> memref<106496x32xf32, #tpu.memory_space<hbm>>
    %dma_start3A_120 = tpu.memref_slice %arg12[%dma_start3A_109] : memref<10x!tpu.dma_semaphore, #tpu.memory_space<semaphore_mem>> -> memref<1x!tpu.dma_semaphore, #tpu.memory_space<semaphore_mem>>
    %dma_start3A_121 = tpu.memref_squeeze %dma_start3A_120 : memref<1x!tpu.dma_semaphore, #tpu.memory_space<semaphore_mem>> -> memref<!tpu.dma_semaphore, #tpu.memory_space<semaphore_mem>>
    tpu.enqueue_indirect_dma source(%dma_start3A_119 : memref<106496x32xf32, #tpu.memory_space<hbm>>) target(%dma_start3A_113 : memref<128x32xf32, #tpu.memory_space<vmem>>) offsets(%dma_start3A_116 : memref<128xi32, #tpu.memory_space<vmem>>) semaphore(%dma_start3A_121 : memref<!tpu.dma_semaphore, #tpu.memory_space<semaphore_mem>>)
    %dma_start3A_122 = arith.constant 8 : i32
    %dma_start3A_123 = arith.constant 8 : i32
    %dma_start3A_124 = arith.constant 8 : i32
    %dma_start3A_125 = arith.constant 0 : i32
    %dma_start3A_126 = arith.constant 0 : i32
    %dma_start3A_127 = tpu.memref_slice %arg9[%dma_start3A_123, %dma_start3A_125, %dma_start3A_126] : memref<10x128x32xf32, #tpu.memory_space<vmem>> -> memref<1x128x32xf32, #tpu.memory_space<vmem>>
    %dma_start3A_128 = tpu.memref_squeeze %dma_start3A_127 : memref<1x128x32xf32, #tpu.memory_space<vmem>> -> memref<128x32xf32, #tpu.memory_space<vmem>>
    %dma_start3A_129 = arith.constant 0 : i32
    %dma_start3A_130 = tpu.memref_slice %arg7[%dma_start3A_122, %dma_start3A_129] : memref<200x128xi32, #tpu.memory_space<vmem>> -> memref<1x128xi32, #tpu.memory_space<vmem>>
    %dma_start3A_131 = tpu.memref_squeeze %dma_start3A_130 : memref<1x128xi32, #tpu.memory_space<vmem>> -> memref<128xi32, #tpu.memory_space<vmem>>
    %dma_start3A_132 = arith.constant 0 : i32
    %dma_start3A_133 = arith.constant 0 : i32
    %dma_start3A_134 = tpu.memref_slice %arg2[%dma_start3A_132, %dma_start3A_133] : memref<106496x32xf32, #tpu.memory_space<hbm>> -> memref<106496x32xf32, #tpu.memory_space<hbm>>
    %dma_start3A_135 = tpu.memref_slice %arg12[%dma_start3A_124] : memref<10x!tpu.dma_semaphore, #tpu.memory_space<semaphore_mem>> -> memref<1x!tpu.dma_semaphore, #tpu.memory_space<semaphore_mem>>
    %dma_start3A_136 = tpu.memref_squeeze %dma_start3A_135 : memref<1x!tpu.dma_semaphore, #tpu.memory_space<semaphore_mem>> -> memref<!tpu.dma_semaphore, #tpu.memory_space<semaphore_mem>>
    tpu.enqueue_indirect_dma source(%dma_start3A_134 : memref<106496x32xf32, #tpu.memory_space<hbm>>) target(%dma_start3A_128 : memref<128x32xf32, #tpu.memory_space<vmem>>) offsets(%dma_start3A_131 : memref<128xi32, #tpu.memory_space<vmem>>) semaphore(%dma_start3A_136 : memref<!tpu.dma_semaphore, #tpu.memory_space<semaphore_mem>>)
    %dma_start3A_137 = arith.constant 9 : i32
    %dma_start3A_138 = arith.constant 9 : i32
    %dma_start3A_139 = arith.constant 9 : i32
    %dma_start3A_140 = arith.constant 0 : i32
    %dma_start3A_141 = arith.constant 0 : i32
    %dma_start3A_142 = tpu.memref_slice %arg9[%dma_start3A_138, %dma_start3A_140, %dma_start3A_141] : memref<10x128x32xf32, #tpu.memory_space<vmem>> -> memref<1x128x32xf32, #tpu.memory_space<vmem>>
    %dma_start3A_143 = tpu.memref_squeeze %dma_start3A_142 : memref<1x128x32xf32, #tpu.memory_space<vmem>> -> memref<128x32xf32, #tpu.memory_space<vmem>>
    %dma_start3A_144 = arith.constant 0 : i32
    %dma_start3A_145 = tpu.memref_slice %arg7[%dma_start3A_137, %dma_start3A_144] : memref<200x128xi32, #tpu.memory_space<vmem>> -> memref<1x128xi32, #tpu.memory_space<vmem>>
    %dma_start3A_146 = tpu.memref_squeeze %dma_start3A_145 : memref<1x128xi32, #tpu.memory_space<vmem>> -> memref<128xi32, #tpu.memory_space<vmem>>
    %dma_start3A_147 = arith.constant 0 : i32
    %dma_start3A_148 = arith.constant 0 : i32
    %dma_start3A_149 = tpu.memref_slice %arg2[%dma_start3A_147, %dma_start3A_148] : memref<106496x32xf32, #tpu.memory_space<hbm>> -> memref<106496x32xf32, #tpu.memory_space<hbm>>
    %dma_start3A_150 = tpu.memref_slice %arg12[%dma_start3A_139] : memref<10x!tpu.dma_semaphore, #tpu.memory_space<semaphore_mem>> -> memref<1x!tpu.dma_semaphore, #tpu.memory_space<semaphore_mem>>
    %dma_start3A_151 = tpu.memref_squeeze %dma_start3A_150 : memref<1x!tpu.dma_semaphore, #tpu.memory_space<semaphore_mem>> -> memref<!tpu.dma_semaphore, #tpu.memory_space<semaphore_mem>>
    tpu.enqueue_indirect_dma source(%dma_start3A_149 : memref<106496x32xf32, #tpu.memory_space<hbm>>) target(%dma_start3A_143 : memref<128x32xf32, #tpu.memory_space<vmem>>) offsets(%dma_start3A_146 : memref<128xi32, #tpu.memory_space<vmem>>) semaphore(%dma_start3A_151 : memref<!tpu.dma_semaphore, #tpu.memory_space<semaphore_mem>>)
    %scan3A = arith.constant 0 : i32
    %scan3A_152 = arith.constant 0 : i32
    %scan3A_153 = arith.constant 19 : i32
    %scan3A_154 = arith.addi %scan3A_152, %scan3A_153 : i32
    %scan3A_155 = arith.constant 1 : i32
    scf.for %scan3A_526 = %scan3A_152 to %scan3A_154 step %scan3A_155  : i32 {
      %mul3A_527 = arith.constant 10 : i32
      %mul3A_528 = arith.muli %scan3A_526, %mul3A_527 : i32
      %add3A_529 = arith.constant 0 : i32
      %add3A_530 = arith.addi %mul3A_528, %add3A_529 : i32
      %dma_wait3A_531 = arith.constant 0 : i32
      %dma_wait3A_532 = arith.constant 0 : i32
      %dma_wait3A_533 = arith.constant 0 : i32
      %dma_wait3A_534 = arith.constant 0 : i32
      %dma_wait3A_535 = tpu.memref_slice %arg9[%dma_wait3A_531, %dma_wait3A_533, %dma_wait3A_534] : memref<10x128x32xf32, #tpu.memory_space<vmem>> -> memref<1x128x32xf32, #tpu.memory_space<vmem>>
      %dma_wait3A_536 = tpu.memref_squeeze %dma_wait3A_535 : memref<1x128x32xf32, #tpu.memory_space<vmem>> -> memref<128x32xf32, #tpu.memory_space<vmem>>
      %dma_wait3A_537 = arith.constant 0 : i32
      %dma_wait3A_538 = tpu.memref_slice %arg7[%add3A_530, %dma_wait3A_537] : memref<200x128xi32, #tpu.memory_space<vmem>> -> memref<1x128xi32, #tpu.memory_space<vmem>>
      %dma_wait3A_539 = tpu.memref_squeeze %dma_wait3A_538 : memref<1x128xi32, #tpu.memory_space<vmem>> -> memref<128xi32, #tpu.memory_space<vmem>>
      %dma_wait3A_540 = arith.constant 0 : i32
      %dma_wait3A_541 = arith.constant 0 : i32
      %dma_wait3A_542 = tpu.memref_slice %arg2[%dma_wait3A_540, %dma_wait3A_541] : memref<106496x32xf32, #tpu.memory_space<hbm>> -> memref<106496x32xf32, #tpu.memory_space<hbm>>
      %dma_wait3A_543 = tpu.memref_slice %arg12[%dma_wait3A_532] : memref<10x!tpu.dma_semaphore, #tpu.memory_space<semaphore_mem>> -> memref<1x!tpu.dma_semaphore, #tpu.memory_space<semaphore_mem>>
      %dma_wait3A_544 = tpu.memref_squeeze %dma_wait3A_543 : memref<1x!tpu.dma_semaphore, #tpu.memory_space<semaphore_mem>> -> memref<!tpu.dma_semaphore, #tpu.memory_space<semaphore_mem>>
      tpu.wait_indirect_dma semaphore(%dma_wait3A_544 : memref<!tpu.dma_semaphore, #tpu.memory_space<semaphore_mem>>) src(%dma_wait3A_542 : memref<106496x32xf32, #tpu.memory_space<hbm>>) dst(%dma_wait3A_536 : memref<128x32xf32, #tpu.memory_space<vmem>>)
      %dma_start3A_545 = arith.constant 0 : i32
      %dma_start3A_546 = arith.constant 0 : i32
      %dma_start3A_547 = arith.constant 0 : i32
      %dma_start3A_548 = arith.constant 0 : i32
      %dma_start3A_549 = tpu.memref_slice %arg9[%dma_start3A_545, %dma_start3A_547, %dma_start3A_548] : memref<10x128x32xf32, #tpu.memory_space<vmem>> -> memref<1x128x32xf32, #tpu.memory_space<vmem>>
      %dma_start3A_550 = tpu.memref_squeeze %dma_start3A_549 : memref<1x128x32xf32, #tpu.memory_space<vmem>> -> memref<128x32xf32, #tpu.memory_space<vmem>>
      %dma_start3A_551 = arith.constant 0 : i32
      %dma_start3A_552 = arith.constant 0 : i32
      %dma_start3A_553 = tpu.memref_slice %arg11[%dma_start3A_551, %dma_start3A_552] : memref<4096x32xf32, #tpu.memory_space<vmem_shared>> -> memref<4096x32xf32, #tpu.memory_space<vmem_shared>>
      %dma_start3A_554 = tpu.memref_slice %arg13[%dma_start3A_546] : memref<10x!tpu.dma_semaphore, #tpu.memory_space<semaphore_mem>> -> memref<1x!tpu.dma_semaphore, #tpu.memory_space<semaphore_mem>>
      %dma_start3A_555 = tpu.memref_squeeze %dma_start3A_554 : memref<1x!tpu.dma_semaphore, #tpu.memory_space<semaphore_mem>> -> memref<!tpu.dma_semaphore, #tpu.memory_space<semaphore_mem>>
      tpu.enqueue_indirect_dma source(%dma_start3A_550 : memref<128x32xf32, #tpu.memory_space<vmem>>) target(%dma_start3A_553 : memref<4096x32xf32, #tpu.memory_space<vmem_shared>>) offsets(%arg8 : memref<128xi32, #tpu.memory_space<vmem>>) semaphore(%dma_start3A_555 : memref<!tpu.dma_semaphore, #tpu.memory_space<semaphore_mem>>) {add = true}
      %add3A_556 = arith.constant 1 : i32
      %add3A_557 = arith.addi %mul3A_528, %add3A_556 : i32
      %dma_wait3A_558 = arith.constant 1 : i32
      %dma_wait3A_559 = arith.constant 1 : i32
      %dma_wait3A_560 = arith.constant 0 : i32
      %dma_wait3A_561 = arith.constant 0 : i32
      %dma_wait3A_562 = tpu.memref_slice %arg9[%dma_wait3A_558, %dma_wait3A_560, %dma_wait3A_561] : memref<10x128x32xf32, #tpu.memory_space<vmem>> -> memref<1x128x32xf32, #tpu.memory_space<vmem>>
      %dma_wait3A_563 = tpu.memref_squeeze %dma_wait3A_562 : memref<1x128x32xf32, #tpu.memory_space<vmem>> -> memref<128x32xf32, #tpu.memory_space<vmem>>
      %dma_wait3A_564 = arith.constant 0 : i32
      %dma_wait3A_565 = tpu.memref_slice %arg7[%add3A_557, %dma_wait3A_564] : memref<200x128xi32, #tpu.memory_space<vmem>> -> memref<1x128xi32, #tpu.memory_space<vmem>>
      %dma_wait3A_566 = tpu.memref_squeeze %dma_wait3A_565 : memref<1x128xi32, #tpu.memory_space<vmem>> -> memref<128xi32, #tpu.memory_space<vmem>>
      %dma_wait3A_567 = arith.constant 0 : i32
      %dma_wait3A_568 = arith.constant 0 : i32
      %dma_wait3A_569 = tpu.memref_slice %arg2[%dma_wait3A_567, %dma_wait3A_568] : memref<106496x32xf32, #tpu.memory_space<hbm>> -> memref<106496x32xf32, #tpu.memory_space<hbm>>
      %dma_wait3A_570 = tpu.memref_slice %arg12[%dma_wait3A_559] : memref<10x!tpu.dma_semaphore, #tpu.memory_space<semaphore_mem>> -> memref<1x!tpu.dma_semaphore, #tpu.memory_space<semaphore_mem>>
      %dma_wait3A_571 = tpu.memref_squeeze %dma_wait3A_570 : memref<1x!tpu.dma_semaphore, #tpu.memory_space<semaphore_mem>> -> memref<!tpu.dma_semaphore, #tpu.memory_space<semaphore_mem>>
      tpu.wait_indirect_dma semaphore(%dma_wait3A_571 : memref<!tpu.dma_semaphore, #tpu.memory_space<semaphore_mem>>) src(%dma_wait3A_569 : memref<106496x32xf32, #tpu.memory_space<hbm>>) dst(%dma_wait3A_563 : memref<128x32xf32, #tpu.memory_space<vmem>>)
      %dma_start3A_572 = arith.constant 1 : i32
      %dma_start3A_573 = arith.constant 1 : i32
      %dma_start3A_574 = arith.constant 0 : i32
      %dma_start3A_575 = arith.constant 0 : i32
      %dma_start3A_576 = tpu.memref_slice %arg9[%dma_start3A_572, %dma_start3A_574, %dma_start3A_575] : memref<10x128x32xf32, #tpu.memory_space<vmem>> -> memref<1x128x32xf32, #tpu.memory_space<vmem>>
      %dma_start3A_577 = tpu.memref_squeeze %dma_start3A_576 : memref<1x128x32xf32, #tpu.memory_space<vmem>> -> memref<128x32xf32, #tpu.memory_space<vmem>>
      %dma_start3A_578 = arith.constant 0 : i32
      %dma_start3A_579 = arith.constant 0 : i32
      %dma_start3A_580 = tpu.memref_slice %arg11[%dma_start3A_578, %dma_start3A_579] : memref<4096x32xf32, #tpu.memory_space<vmem_shared>> -> memref<4096x32xf32, #tpu.memory_space<vmem_shared>>
      %dma_start3A_581 = tpu.memref_slice %arg13[%dma_start3A_573] : memref<10x!tpu.dma_semaphore, #tpu.memory_space<semaphore_mem>> -> memref<1x!tpu.dma_semaphore, #tpu.memory_space<semaphore_mem>>
      %dma_start3A_582 = tpu.memref_squeeze %dma_start3A_581 : memref<1x!tpu.dma_semaphore, #tpu.memory_space<semaphore_mem>> -> memref<!tpu.dma_semaphore, #tpu.memory_space<semaphore_mem>>
      tpu.enqueue_indirect_dma source(%dma_start3A_577 : memref<128x32xf32, #tpu.memory_space<vmem>>) target(%dma_start3A_580 : memref<4096x32xf32, #tpu.memory_space<vmem_shared>>) offsets(%arg8 : memref<128xi32, #tpu.memory_space<vmem>>) semaphore(%dma_start3A_582 : memref<!tpu.dma_semaphore, #tpu.memory_space<semaphore_mem>>) {add = true}
      %add3A_583 = arith.constant 2 : i32
      %add3A_584 = arith.addi %mul3A_528, %add3A_583 : i32
      %dma_wait3A_585 = arith.constant 2 : i32
      %dma_wait3A_586 = arith.constant 2 : i32
      %dma_wait3A_587 = arith.constant 0 : i32
      %dma_wait3A_588 = arith.constant 0 : i32
      %dma_wait3A_589 = tpu.memref_slice %arg9[%dma_wait3A_585, %dma_wait3A_587, %dma_wait3A_588] : memref<10x128x32xf32, #tpu.memory_space<vmem>> -> memref<1x128x32xf32, #tpu.memory_space<vmem>>
      %dma_wait3A_590 = tpu.memref_squeeze %dma_wait3A_589 : memref<1x128x32xf32, #tpu.memory_space<vmem>> -> memref<128x32xf32, #tpu.memory_space<vmem>>
      %dma_wait3A_591 = arith.constant 0 : i32
      %dma_wait3A_592 = tpu.memref_slice %arg7[%add3A_584, %dma_wait3A_591] : memref<200x128xi32, #tpu.memory_space<vmem>> -> memref<1x128xi32, #tpu.memory_space<vmem>>
      %dma_wait3A_593 = tpu.memref_squeeze %dma_wait3A_592 : memref<1x128xi32, #tpu.memory_space<vmem>> -> memref<128xi32, #tpu.memory_space<vmem>>
      %dma_wait3A_594 = arith.constant 0 : i32
      %dma_wait3A_595 = arith.constant 0 : i32
      %dma_wait3A_596 = tpu.memref_slice %arg2[%dma_wait3A_594, %dma_wait3A_595] : memref<106496x32xf32, #tpu.memory_space<hbm>> -> memref<106496x32xf32, #tpu.memory_space<hbm>>
      %dma_wait3A_597 = tpu.memref_slice %arg12[%dma_wait3A_586] : memref<10x!tpu.dma_semaphore, #tpu.memory_space<semaphore_mem>> -> memref<1x!tpu.dma_semaphore, #tpu.memory_space<semaphore_mem>>
      %dma_wait3A_598 = tpu.memref_squeeze %dma_wait3A_597 : memref<1x!tpu.dma_semaphore, #tpu.memory_space<semaphore_mem>> -> memref<!tpu.dma_semaphore, #tpu.memory_space<semaphore_mem>>
      tpu.wait_indirect_dma semaphore(%dma_wait3A_598 : memref<!tpu.dma_semaphore, #tpu.memory_space<semaphore_mem>>) src(%dma_wait3A_596 : memref<106496x32xf32, #tpu.memory_space<hbm>>) dst(%dma_wait3A_590 : memref<128x32xf32, #tpu.memory_space<vmem>>)
      %dma_start3A_599 = arith.constant 2 : i32
      %dma_start3A_600 = arith.constant 2 : i32
      %dma_start3A_601 = arith.constant 0 : i32
      %dma_start3A_602 = arith.constant 0 : i32
      %dma_start3A_603 = tpu.memref_slice %arg9[%dma_start3A_599, %dma_start3A_601, %dma_start3A_602] : memref<10x128x32xf32, #tpu.memory_space<vmem>> -> memref<1x128x32xf32, #tpu.memory_space<vmem>>
      %dma_start3A_604 = tpu.memref_squeeze %dma_start3A_603 : memref<1x128x32xf32, #tpu.memory_space<vmem>> -> memref<128x32xf32, #tpu.memory_space<vmem>>
      %dma_start3A_605 = arith.constant 0 : i32
      %dma_start3A_606 = arith.constant 0 : i32
      %dma_start3A_607 = tpu.memref_slice %arg11[%dma_start3A_605, %dma_start3A_606] : memref<4096x32xf32, #tpu.memory_space<vmem_shared>> -> memref<4096x32xf32, #tpu.memory_space<vmem_shared>>
      %dma_start3A_608 = tpu.memref_slice %arg13[%dma_start3A_600] : memref<10x!tpu.dma_semaphore, #tpu.memory_space<semaphore_mem>> -> memref<1x!tpu.dma_semaphore, #tpu.memory_space<semaphore_mem>>
      %dma_start3A_609 = tpu.memref_squeeze %dma_start3A_608 : memref<1x!tpu.dma_semaphore, #tpu.memory_space<semaphore_mem>> -> memref<!tpu.dma_semaphore, #tpu.memory_space<semaphore_mem>>
      tpu.enqueue_indirect_dma source(%dma_start3A_604 : memref<128x32xf32, #tpu.memory_space<vmem>>) target(%dma_start3A_607 : memref<4096x32xf32, #tpu.memory_space<vmem_shared>>) offsets(%arg8 : memref<128xi32, #tpu.memory_space<vmem>>) semaphore(%dma_start3A_609 : memref<!tpu.dma_semaphore, #tpu.memory_space<semaphore_mem>>) {add = true}
      %add3A_610 = arith.constant 3 : i32
      %add3A_611 = arith.addi %mul3A_528, %add3A_610 : i32
      %dma_wait3A_612 = arith.constant 3 : i32
      %dma_wait3A_613 = arith.constant 3 : i32
      %dma_wait3A_614 = arith.constant 0 : i32
      %dma_wait3A_615 = arith.constant 0 : i32
      %dma_wait3A_616 = tpu.memref_slice %arg9[%dma_wait3A_612, %dma_wait3A_614, %dma_wait3A_615] : memref<10x128x32xf32, #tpu.memory_space<vmem>> -> memref<1x128x32xf32, #tpu.memory_space<vmem>>
      %dma_wait3A_617 = tpu.memref_squeeze %dma_wait3A_616 : memref<1x128x32xf32, #tpu.memory_space<vmem>> -> memref<128x32xf32, #tpu.memory_space<vmem>>
      %dma_wait3A_618 = arith.constant 0 : i32
      %dma_wait3A_619 = tpu.memref_slice %arg7[%add3A_611, %dma_wait3A_618] : memref<200x128xi32, #tpu.memory_space<vmem>> -> memref<1x128xi32, #tpu.memory_space<vmem>>
      %dma_wait3A_620 = tpu.memref_squeeze %dma_wait3A_619 : memref<1x128xi32, #tpu.memory_space<vmem>> -> memref<128xi32, #tpu.memory_space<vmem>>
      %dma_wait3A_621 = arith.constant 0 : i32
      %dma_wait3A_622 = arith.constant 0 : i32
      %dma_wait3A_623 = tpu.memref_slice %arg2[%dma_wait3A_621, %dma_wait3A_622] : memref<106496x32xf32, #tpu.memory_space<hbm>> -> memref<106496x32xf32, #tpu.memory_space<hbm>>
      %dma_wait3A_624 = tpu.memref_slice %arg12[%dma_wait3A_613] : memref<10x!tpu.dma_semaphore, #tpu.memory_space<semaphore_mem>> -> memref<1x!tpu.dma_semaphore, #tpu.memory_space<semaphore_mem>>
      %dma_wait3A_625 = tpu.memref_squeeze %dma_wait3A_624 : memref<1x!tpu.dma_semaphore, #tpu.memory_space<semaphore_mem>> -> memref<!tpu.dma_semaphore, #tpu.memory_space<semaphore_mem>>
      tpu.wait_indirect_dma semaphore(%dma_wait3A_625 : memref<!tpu.dma_semaphore, #tpu.memory_space<semaphore_mem>>) src(%dma_wait3A_623 : memref<106496x32xf32, #tpu.memory_space<hbm>>) dst(%dma_wait3A_617 : memref<128x32xf32, #tpu.memory_space<vmem>>)
      %dma_start3A_626 = arith.constant 3 : i32
      %dma_start3A_627 = arith.constant 3 : i32
      %dma_start3A_628 = arith.constant 0 : i32
      %dma_start3A_629 = arith.constant 0 : i32
      %dma_start3A_630 = tpu.memref_slice %arg9[%dma_start3A_626, %dma_start3A_628, %dma_start3A_629] : memref<10x128x32xf32, #tpu.memory_space<vmem>> -> memref<1x128x32xf32, #tpu.memory_space<vmem>>
      %dma_start3A_631 = tpu.memref_squeeze %dma_start3A_630 : memref<1x128x32xf32, #tpu.memory_space<vmem>> -> memref<128x32xf32, #tpu.memory_space<vmem>>
      %dma_start3A_632 = arith.constant 0 : i32
      %dma_start3A_633 = arith.constant 0 : i32
      %dma_start3A_634 = tpu.memref_slice %arg11[%dma_start3A_632, %dma_start3A_633] : memref<4096x32xf32, #tpu.memory_space<vmem_shared>> -> memref<4096x32xf32, #tpu.memory_space<vmem_shared>>
      %dma_start3A_635 = tpu.memref_slice %arg13[%dma_start3A_627] : memref<10x!tpu.dma_semaphore, #tpu.memory_space<semaphore_mem>> -> memref<1x!tpu.dma_semaphore, #tpu.memory_space<semaphore_mem>>
      %dma_start3A_636 = tpu.memref_squeeze %dma_start3A_635 : memref<1x!tpu.dma_semaphore, #tpu.memory_space<semaphore_mem>> -> memref<!tpu.dma_semaphore, #tpu.memory_space<semaphore_mem>>
      tpu.enqueue_indirect_dma source(%dma_start3A_631 : memref<128x32xf32, #tpu.memory_space<vmem>>) target(%dma_start3A_634 : memref<4096x32xf32, #tpu.memory_space<vmem_shared>>) offsets(%arg8 : memref<128xi32, #tpu.memory_space<vmem>>) semaphore(%dma_start3A_636 : memref<!tpu.dma_semaphore, #tpu.memory_space<semaphore_mem>>) {add = true}
      %add3A_637 = arith.constant 4 : i32
      %add3A_638 = arith.addi %mul3A_528, %add3A_637 : i32
      %dma_wait3A_639 = arith.constant 4 : i32
      %dma_wait3A_640 = arith.constant 4 : i32
      %dma_wait3A_641 = arith.constant 0 : i32
      %dma_wait3A_642 = arith.constant 0 : i32
      %dma_wait3A_643 = tpu.memref_slice %arg9[%dma_wait3A_639, %dma_wait3A_641, %dma_wait3A_642] : memref<10x128x32xf32, #tpu.memory_space<vmem>> -> memref<1x128x32xf32, #tpu.memory_space<vmem>>
      %dma_wait3A_644 = tpu.memref_squeeze %dma_wait3A_643 : memref<1x128x32xf32, #tpu.memory_space<vmem>> -> memref<128x32xf32, #tpu.memory_space<vmem>>
      %dma_wait3A_645 = arith.constant 0 : i32
      %dma_wait3A_646 = tpu.memref_slice %arg7[%add3A_638, %dma_wait3A_645] : memref<200x128xi32, #tpu.memory_space<vmem>> -> memref<1x128xi32, #tpu.memory_space<vmem>>
      %dma_wait3A_647 = tpu.memref_squeeze %dma_wait3A_646 : memref<1x128xi32, #tpu.memory_space<vmem>> -> memref<128xi32, #tpu.memory_space<vmem>>
      %dma_wait3A_648 = arith.constant 0 : i32
      %dma_wait3A_649 = arith.constant 0 : i32
      %dma_wait3A_650 = tpu.memref_slice %arg2[%dma_wait3A_648, %dma_wait3A_649] : memref<106496x32xf32, #tpu.memory_space<hbm>> -> memref<106496x32xf32, #tpu.memory_space<hbm>>
      %dma_wait3A_651 = tpu.memref_slice %arg12[%dma_wait3A_640] : memref<10x!tpu.dma_semaphore, #tpu.memory_space<semaphore_mem>> -> memref<1x!tpu.dma_semaphore, #tpu.memory_space<semaphore_mem>>
      %dma_wait3A_652 = tpu.memref_squeeze %dma_wait3A_651 : memref<1x!tpu.dma_semaphore, #tpu.memory_space<semaphore_mem>> -> memref<!tpu.dma_semaphore, #tpu.memory_space<semaphore_mem>>
      tpu.wait_indirect_dma semaphore(%dma_wait3A_652 : memref<!tpu.dma_semaphore, #tpu.memory_space<semaphore_mem>>) src(%dma_wait3A_650 : memref<106496x32xf32, #tpu.memory_space<hbm>>) dst(%dma_wait3A_644 : memref<128x32xf32, #tpu.memory_space<vmem>>)
      %dma_start3A_653 = arith.constant 4 : i32
      %dma_start3A_654 = arith.constant 4 : i32
      %dma_start3A_655 = arith.constant 0 : i32
      %dma_start3A_656 = arith.constant 0 : i32
      %dma_start3A_657 = tpu.memref_slice %arg9[%dma_start3A_653, %dma_start3A_655, %dma_start3A_656] : memref<10x128x32xf32, #tpu.memory_space<vmem>> -> memref<1x128x32xf32, #tpu.memory_space<vmem>>
      %dma_start3A_658 = tpu.memref_squeeze %dma_start3A_657 : memref<1x128x32xf32, #tpu.memory_space<vmem>> -> memref<128x32xf32, #tpu.memory_space<vmem>>
      %dma_start3A_659 = arith.constant 0 : i32
      %dma_start3A_660 = arith.constant 0 : i32
      %dma_start3A_661 = tpu.memref_slice %arg11[%dma_start3A_659, %dma_start3A_660] : memref<4096x32xf32, #tpu.memory_space<vmem_shared>> -> memref<4096x32xf32, #tpu.memory_space<vmem_shared>>
      %dma_start3A_662 = tpu.memref_slice %arg13[%dma_start3A_654] : memref<10x!tpu.dma_semaphore, #tpu.memory_space<semaphore_mem>> -> memref<1x!tpu.dma_semaphore, #tpu.memory_space<semaphore_mem>>
      %dma_start3A_663 = tpu.memref_squeeze %dma_start3A_662 : memref<1x!tpu.dma_semaphore, #tpu.memory_space<semaphore_mem>> -> memref<!tpu.dma_semaphore, #tpu.memory_space<semaphore_mem>>
      tpu.enqueue_indirect_dma source(%dma_start3A_658 : memref<128x32xf32, #tpu.memory_space<vmem>>) target(%dma_start3A_661 : memref<4096x32xf32, #tpu.memory_space<vmem_shared>>) offsets(%arg8 : memref<128xi32, #tpu.memory_space<vmem>>) semaphore(%dma_start3A_663 : memref<!tpu.dma_semaphore, #tpu.memory_space<semaphore_mem>>) {add = true}
      %add3A_664 = arith.constant 5 : i32
      %add3A_665 = arith.addi %mul3A_528, %add3A_664 : i32
      %dma_wait3A_666 = arith.constant 5 : i32
      %dma_wait3A_667 = arith.constant 5 : i32
      %dma_wait3A_668 = arith.constant 0 : i32
      %dma_wait3A_669 = arith.constant 0 : i32
      %dma_wait3A_670 = tpu.memref_slice %arg9[%dma_wait3A_666, %dma_wait3A_668, %dma_wait3A_669] : memref<10x128x32xf32, #tpu.memory_space<vmem>> -> memref<1x128x32xf32, #tpu.memory_space<vmem>>
      %dma_wait3A_671 = tpu.memref_squeeze %dma_wait3A_670 : memref<1x128x32xf32, #tpu.memory_space<vmem>> -> memref<128x32xf32, #tpu.memory_space<vmem>>
      %dma_wait3A_672 = arith.constant 0 : i32
      %dma_wait3A_673 = tpu.memref_slice %arg7[%add3A_665, %dma_wait3A_672] : memref<200x128xi32, #tpu.memory_space<vmem>> -> memref<1x128xi32, #tpu.memory_space<vmem>>
      %dma_wait3A_674 = tpu.memref_squeeze %dma_wait3A_673 : memref<1x128xi32, #tpu.memory_space<vmem>> -> memref<128xi32, #tpu.memory_space<vmem>>
      %dma_wait3A_675 = arith.constant 0 : i32
      %dma_wait3A_676 = arith.constant 0 : i32
      %dma_wait3A_677 = tpu.memref_slice %arg2[%dma_wait3A_675, %dma_wait3A_676] : memref<106496x32xf32, #tpu.memory_space<hbm>> -> memref<106496x32xf32, #tpu.memory_space<hbm>>
      %dma_wait3A_678 = tpu.memref_slice %arg12[%dma_wait3A_667] : memref<10x!tpu.dma_semaphore, #tpu.memory_space<semaphore_mem>> -> memref<1x!tpu.dma_semaphore, #tpu.memory_space<semaphore_mem>>
      %dma_wait3A_679 = tpu.memref_squeeze %dma_wait3A_678 : memref<1x!tpu.dma_semaphore, #tpu.memory_space<semaphore_mem>> -> memref<!tpu.dma_semaphore, #tpu.memory_space<semaphore_mem>>
      tpu.wait_indirect_dma semaphore(%dma_wait3A_679 : memref<!tpu.dma_semaphore, #tpu.memory_space<semaphore_mem>>) src(%dma_wait3A_677 : memref<106496x32xf32, #tpu.memory_space<hbm>>) dst(%dma_wait3A_671 : memref<128x32xf32, #tpu.memory_space<vmem>>)
      %dma_start3A_680 = arith.constant 5 : i32
      %dma_start3A_681 = arith.constant 5 : i32
      %dma_start3A_682 = arith.constant 0 : i32
      %dma_start3A_683 = arith.constant 0 : i32
      %dma_start3A_684 = tpu.memref_slice %arg9[%dma_start3A_680, %dma_start3A_682, %dma_start3A_683] : memref<10x128x32xf32, #tpu.memory_space<vmem>> -> memref<1x128x32xf32, #tpu.memory_space<vmem>>
      %dma_start3A_685 = tpu.memref_squeeze %dma_start3A_684 : memref<1x128x32xf32, #tpu.memory_space<vmem>> -> memref<128x32xf32, #tpu.memory_space<vmem>>
      %dma_start3A_686 = arith.constant 0 : i32
      %dma_start3A_687 = arith.constant 0 : i32
      %dma_start3A_688 = tpu.memref_slice %arg11[%dma_start3A_686, %dma_start3A_687] : memref<4096x32xf32, #tpu.memory_space<vmem_shared>> -> memref<4096x32xf32, #tpu.memory_space<vmem_shared>>
      %dma_start3A_689 = tpu.memref_slice %arg13[%dma_start3A_681] : memref<10x!tpu.dma_semaphore, #tpu.memory_space<semaphore_mem>> -> memref<1x!tpu.dma_semaphore, #tpu.memory_space<semaphore_mem>>
      %dma_start3A_690 = tpu.memref_squeeze %dma_start3A_689 : memref<1x!tpu.dma_semaphore, #tpu.memory_space<semaphore_mem>> -> memref<!tpu.dma_semaphore, #tpu.memory_space<semaphore_mem>>
      tpu.enqueue_indirect_dma source(%dma_start3A_685 : memref<128x32xf32, #tpu.memory_space<vmem>>) target(%dma_start3A_688 : memref<4096x32xf32, #tpu.memory_space<vmem_shared>>) offsets(%arg8 : memref<128xi32, #tpu.memory_space<vmem>>) semaphore(%dma_start3A_690 : memref<!tpu.dma_semaphore, #tpu.memory_space<semaphore_mem>>) {add = true}
      %add3A_691 = arith.constant 6 : i32
      %add3A_692 = arith.addi %mul3A_528, %add3A_691 : i32
      %dma_wait3A_693 = arith.constant 6 : i32
      %dma_wait3A_694 = arith.constant 6 : i32
      %dma_wait3A_695 = arith.constant 0 : i32
      %dma_wait3A_696 = arith.constant 0 : i32
      %dma_wait3A_697 = tpu.memref_slice %arg9[%dma_wait3A_693, %dma_wait3A_695, %dma_wait3A_696] : memref<10x128x32xf32, #tpu.memory_space<vmem>> -> memref<1x128x32xf32, #tpu.memory_space<vmem>>
      %dma_wait3A_698 = tpu.memref_squeeze %dma_wait3A_697 : memref<1x128x32xf32, #tpu.memory_space<vmem>> -> memref<128x32xf32, #tpu.memory_space<vmem>>
      %dma_wait3A_699 = arith.constant 0 : i32
      %dma_wait3A_700 = tpu.memref_slice %arg7[%add3A_692, %dma_wait3A_699] : memref<200x128xi32, #tpu.memory_space<vmem>> -> memref<1x128xi32, #tpu.memory_space<vmem>>
      %dma_wait3A_701 = tpu.memref_squeeze %dma_wait3A_700 : memref<1x128xi32, #tpu.memory_space<vmem>> -> memref<128xi32, #tpu.memory_space<vmem>>
      %dma_wait3A_702 = arith.constant 0 : i32
      %dma_wait3A_703 = arith.constant 0 : i32
      %dma_wait3A_704 = tpu.memref_slice %arg2[%dma_wait3A_702, %dma_wait3A_703] : memref<106496x32xf32, #tpu.memory_space<hbm>> -> memref<106496x32xf32, #tpu.memory_space<hbm>>
      %dma_wait3A_705 = tpu.memref_slice %arg12[%dma_wait3A_694] : memref<10x!tpu.dma_semaphore, #tpu.memory_space<semaphore_mem>> -> memref<1x!tpu.dma_semaphore, #tpu.memory_space<semaphore_mem>>
      %dma_wait3A_706 = tpu.memref_squeeze %dma_wait3A_705 : memref<1x!tpu.dma_semaphore, #tpu.memory_space<semaphore_mem>> -> memref<!tpu.dma_semaphore, #tpu.memory_space<semaphore_mem>>
      tpu.wait_indirect_dma semaphore(%dma_wait3A_706 : memref<!tpu.dma_semaphore, #tpu.memory_space<semaphore_mem>>) src(%dma_wait3A_704 : memref<106496x32xf32, #tpu.memory_space<hbm>>) dst(%dma_wait3A_698 : memref<128x32xf32, #tpu.memory_space<vmem>>)
      %dma_start3A_707 = arith.constant 6 : i32
      %dma_start3A_708 = arith.constant 6 : i32
      %dma_start3A_709 = arith.constant 0 : i32
      %dma_start3A_710 = arith.constant 0 : i32
      %dma_start3A_711 = tpu.memref_slice %arg9[%dma_start3A_707, %dma_start3A_709, %dma_start3A_710] : memref<10x128x32xf32, #tpu.memory_space<vmem>> -> memref<1x128x32xf32, #tpu.memory_space<vmem>>
      %dma_start3A_712 = tpu.memref_squeeze %dma_start3A_711 : memref<1x128x32xf32, #tpu.memory_space<vmem>> -> memref<128x32xf32, #tpu.memory_space<vmem>>
      %dma_start3A_713 = arith.constant 0 : i32
      %dma_start3A_714 = arith.constant 0 : i32
      %dma_start3A_715 = tpu.memref_slice %arg11[%dma_start3A_713, %dma_start3A_714] : memref<4096x32xf32, #tpu.memory_space<vmem_shared>> -> memref<4096x32xf32, #tpu.memory_space<vmem_shared>>
      %dma_start3A_716 = tpu.memref_slice %arg13[%dma_start3A_708] : memref<10x!tpu.dma_semaphore, #tpu.memory_space<semaphore_mem>> -> memref<1x!tpu.dma_semaphore, #tpu.memory_space<semaphore_mem>>
      %dma_start3A_717 = tpu.memref_squeeze %dma_start3A_716 : memref<1x!tpu.dma_semaphore, #tpu.memory_space<semaphore_mem>> -> memref<!tpu.dma_semaphore, #tpu.memory_space<semaphore_mem>>
      tpu.enqueue_indirect_dma source(%dma_start3A_712 : memref<128x32xf32, #tpu.memory_space<vmem>>) target(%dma_start3A_715 : memref<4096x32xf32, #tpu.memory_space<vmem_shared>>) offsets(%arg8 : memref<128xi32, #tpu.memory_space<vmem>>) semaphore(%dma_start3A_717 : memref<!tpu.dma_semaphore, #tpu.memory_space<semaphore_mem>>) {add = true}
      %add3A_718 = arith.constant 7 : i32
      %add3A_719 = arith.addi %mul3A_528, %add3A_718 : i32
      %dma_wait3A_720 = arith.constant 7 : i32
      %dma_wait3A_721 = arith.constant 7 : i32
      %dma_wait3A_722 = arith.constant 0 : i32
      %dma_wait3A_723 = arith.constant 0 : i32
      %dma_wait3A_724 = tpu.memref_slice %arg9[%dma_wait3A_720, %dma_wait3A_722, %dma_wait3A_723] : memref<10x128x32xf32, #tpu.memory_space<vmem>> -> memref<1x128x32xf32, #tpu.memory_space<vmem>>
      %dma_wait3A_725 = tpu.memref_squeeze %dma_wait3A_724 : memref<1x128x32xf32, #tpu.memory_space<vmem>> -> memref<128x32xf32, #tpu.memory_space<vmem>>
      %dma_wait3A_726 = arith.constant 0 : i32
      %dma_wait3A_727 = tpu.memref_slice %arg7[%add3A_719, %dma_wait3A_726] : memref<200x128xi32, #tpu.memory_space<vmem>> -> memref<1x128xi32, #tpu.memory_space<vmem>>
      %dma_wait3A_728 = tpu.memref_squeeze %dma_wait3A_727 : memref<1x128xi32, #tpu.memory_space<vmem>> -> memref<128xi32, #tpu.memory_space<vmem>>
      %dma_wait3A_729 = arith.constant 0 : i32
      %dma_wait3A_730 = arith.constant 0 : i32
      %dma_wait3A_731 = tpu.memref_slice %arg2[%dma_wait3A_729, %dma_wait3A_730] : memref<106496x32xf32, #tpu.memory_space<hbm>> -> memref<106496x32xf32, #tpu.memory_space<hbm>>
      %dma_wait3A_732 = tpu.memref_slice %arg12[%dma_wait3A_721] : memref<10x!tpu.dma_semaphore, #tpu.memory_space<semaphore_mem>> -> memref<1x!tpu.dma_semaphore, #tpu.memory_space<semaphore_mem>>
      %dma_wait3A_733 = tpu.memref_squeeze %dma_wait3A_732 : memref<1x!tpu.dma_semaphore, #tpu.memory_space<semaphore_mem>> -> memref<!tpu.dma_semaphore, #tpu.memory_space<semaphore_mem>>
      tpu.wait_indirect_dma semaphore(%dma_wait3A_733 : memref<!tpu.dma_semaphore, #tpu.memory_space<semaphore_mem>>) src(%dma_wait3A_731 : memref<106496x32xf32, #tpu.memory_space<hbm>>) dst(%dma_wait3A_725 : memref<128x32xf32, #tpu.memory_space<vmem>>)
      %dma_start3A_734 = arith.constant 7 : i32
      %dma_start3A_735 = arith.constant 7 : i32
      %dma_start3A_736 = arith.constant 0 : i32
      %dma_start3A_737 = arith.constant 0 : i32
      %dma_start3A_738 = tpu.memref_slice %arg9[%dma_start3A_734, %dma_start3A_736, %dma_start3A_737] : memref<10x128x32xf32, #tpu.memory_space<vmem>> -> memref<1x128x32xf32, #tpu.memory_space<vmem>>
      %dma_start3A_739 = tpu.memref_squeeze %dma_start3A_738 : memref<1x128x32xf32, #tpu.memory_space<vmem>> -> memref<128x32xf32, #tpu.memory_space<vmem>>
      %dma_start3A_740 = arith.constant 0 : i32
      %dma_start3A_741 = arith.constant 0 : i32
      %dma_start3A_742 = tpu.memref_slice %arg11[%dma_start3A_740, %dma_start3A_741] : memref<4096x32xf32, #tpu.memory_space<vmem_shared>> -> memref<4096x32xf32, #tpu.memory_space<vmem_shared>>
      %dma_start3A_743 = tpu.memref_slice %arg13[%dma_start3A_735] : memref<10x!tpu.dma_semaphore, #tpu.memory_space<semaphore_mem>> -> memref<1x!tpu.dma_semaphore, #tpu.memory_space<semaphore_mem>>
      %dma_start3A_744 = tpu.memref_squeeze %dma_start3A_743 : memref<1x!tpu.dma_semaphore, #tpu.memory_space<semaphore_mem>> -> memref<!tpu.dma_semaphore, #tpu.memory_space<semaphore_mem>>
      tpu.enqueue_indirect_dma source(%dma_start3A_739 : memref<128x32xf32, #tpu.memory_space<vmem>>) target(%dma_start3A_742 : memref<4096x32xf32, #tpu.memory_space<vmem_shared>>) offsets(%arg8 : memref<128xi32, #tpu.memory_space<vmem>>) semaphore(%dma_start3A_744 : memref<!tpu.dma_semaphore, #tpu.memory_space<semaphore_mem>>) {add = true}
      %add3A_745 = arith.constant 8 : i32
      %add3A_746 = arith.addi %mul3A_528, %add3A_745 : i32
      %dma_wait3A_747 = arith.constant 8 : i32
      %dma_wait3A_748 = arith.constant 8 : i32
      %dma_wait3A_749 = arith.constant 0 : i32
      %dma_wait3A_750 = arith.constant 0 : i32
      %dma_wait3A_751 = tpu.memref_slice %arg9[%dma_wait3A_747, %dma_wait3A_749, %dma_wait3A_750] : memref<10x128x32xf32, #tpu.memory_space<vmem>> -> memref<1x128x32xf32, #tpu.memory_space<vmem>>
      %dma_wait3A_752 = tpu.memref_squeeze %dma_wait3A_751 : memref<1x128x32xf32, #tpu.memory_space<vmem>> -> memref<128x32xf32, #tpu.memory_space<vmem>>
      %dma_wait3A_753 = arith.constant 0 : i32
      %dma_wait3A_754 = tpu.memref_slice %arg7[%add3A_746, %dma_wait3A_753] : memref<200x128xi32, #tpu.memory_space<vmem>> -> memref<1x128xi32, #tpu.memory_space<vmem>>
      %dma_wait3A_755 = tpu.memref_squeeze %dma_wait3A_754 : memref<1x128xi32, #tpu.memory_space<vmem>> -> memref<128xi32, #tpu.memory_space<vmem>>
      %dma_wait3A_756 = arith.constant 0 : i32
      %dma_wait3A_757 = arith.constant 0 : i32
      %dma_wait3A_758 = tpu.memref_slice %arg2[%dma_wait3A_756, %dma_wait3A_757] : memref<106496x32xf32, #tpu.memory_space<hbm>> -> memref<106496x32xf32, #tpu.memory_space<hbm>>
      %dma_wait3A_759 = tpu.memref_slice %arg12[%dma_wait3A_748] : memref<10x!tpu.dma_semaphore, #tpu.memory_space<semaphore_mem>> -> memref<1x!tpu.dma_semaphore, #tpu.memory_space<semaphore_mem>>
      %dma_wait3A_760 = tpu.memref_squeeze %dma_wait3A_759 : memref<1x!tpu.dma_semaphore, #tpu.memory_space<semaphore_mem>> -> memref<!tpu.dma_semaphore, #tpu.memory_space<semaphore_mem>>
      tpu.wait_indirect_dma semaphore(%dma_wait3A_760 : memref<!tpu.dma_semaphore, #tpu.memory_space<semaphore_mem>>) src(%dma_wait3A_758 : memref<106496x32xf32, #tpu.memory_space<hbm>>) dst(%dma_wait3A_752 : memref<128x32xf32, #tpu.memory_space<vmem>>)
      %dma_start3A_761 = arith.constant 8 : i32
      %dma_start3A_762 = arith.constant 8 : i32
      %dma_start3A_763 = arith.constant 0 : i32
      %dma_start3A_764 = arith.constant 0 : i32
      %dma_start3A_765 = tpu.memref_slice %arg9[%dma_start3A_761, %dma_start3A_763, %dma_start3A_764] : memref<10x128x32xf32, #tpu.memory_space<vmem>> -> memref<1x128x32xf32, #tpu.memory_space<vmem>>
      %dma_start3A_766 = tpu.memref_squeeze %dma_start3A_765 : memref<1x128x32xf32, #tpu.memory_space<vmem>> -> memref<128x32xf32, #tpu.memory_space<vmem>>
      %dma_start3A_767 = arith.constant 0 : i32
      %dma_start3A_768 = arith.constant 0 : i32
      %dma_start3A_769 = tpu.memref_slice %arg11[%dma_start3A_767, %dma_start3A_768] : memref<4096x32xf32, #tpu.memory_space<vmem_shared>> -> memref<4096x32xf32, #tpu.memory_space<vmem_shared>>
      %dma_start3A_770 = tpu.memref_slice %arg13[%dma_start3A_762] : memref<10x!tpu.dma_semaphore, #tpu.memory_space<semaphore_mem>> -> memref<1x!tpu.dma_semaphore, #tpu.memory_space<semaphore_mem>>
      %dma_start3A_771 = tpu.memref_squeeze %dma_start3A_770 : memref<1x!tpu.dma_semaphore, #tpu.memory_space<semaphore_mem>> -> memref<!tpu.dma_semaphore, #tpu.memory_space<semaphore_mem>>
      tpu.enqueue_indirect_dma source(%dma_start3A_766 : memref<128x32xf32, #tpu.memory_space<vmem>>) target(%dma_start3A_769 : memref<4096x32xf32, #tpu.memory_space<vmem_shared>>) offsets(%arg8 : memref<128xi32, #tpu.memory_space<vmem>>) semaphore(%dma_start3A_771 : memref<!tpu.dma_semaphore, #tpu.memory_space<semaphore_mem>>) {add = true}
      %add3A_772 = arith.constant 9 : i32
      %add3A_773 = arith.addi %mul3A_528, %add3A_772 : i32
      %dma_wait3A_774 = arith.constant 9 : i32
      %dma_wait3A_775 = arith.constant 9 : i32
      %dma_wait3A_776 = arith.constant 0 : i32
      %dma_wait3A_777 = arith.constant 0 : i32
      %dma_wait3A_778 = tpu.memref_slice %arg9[%dma_wait3A_774, %dma_wait3A_776, %dma_wait3A_777] : memref<10x128x32xf32, #tpu.memory_space<vmem>> -> memref<1x128x32xf32, #tpu.memory_space<vmem>>
      %dma_wait3A_779 = tpu.memref_squeeze %dma_wait3A_778 : memref<1x128x32xf32, #tpu.memory_space<vmem>> -> memref<128x32xf32, #tpu.memory_space<vmem>>
      %dma_wait3A_780 = arith.constant 0 : i32
      %dma_wait3A_781 = tpu.memref_slice %arg7[%add3A_773, %dma_wait3A_780] : memref<200x128xi32, #tpu.memory_space<vmem>> -> memref<1x128xi32, #tpu.memory_space<vmem>>
      %dma_wait3A_782 = tpu.memref_squeeze %dma_wait3A_781 : memref<1x128xi32, #tpu.memory_space<vmem>> -> memref<128xi32, #tpu.memory_space<vmem>>
      %dma_wait3A_783 = arith.constant 0 : i32
      %dma_wait3A_784 = arith.constant 0 : i32
      %dma_wait3A_785 = tpu.memref_slice %arg2[%dma_wait3A_783, %dma_wait3A_784] : memref<106496x32xf32, #tpu.memory_space<hbm>> -> memref<106496x32xf32, #tpu.memory_space<hbm>>
      %dma_wait3A_786 = tpu.memref_slice %arg12[%dma_wait3A_775] : memref<10x!tpu.dma_semaphore, #tpu.memory_space<semaphore_mem>> -> memref<1x!tpu.dma_semaphore, #tpu.memory_space<semaphore_mem>>
      %dma_wait3A_787 = tpu.memref_squeeze %dma_wait3A_786 : memref<1x!tpu.dma_semaphore, #tpu.memory_space<semaphore_mem>> -> memref<!tpu.dma_semaphore, #tpu.memory_space<semaphore_mem>>
      tpu.wait_indirect_dma semaphore(%dma_wait3A_787 : memref<!tpu.dma_semaphore, #tpu.memory_space<semaphore_mem>>) src(%dma_wait3A_785 : memref<106496x32xf32, #tpu.memory_space<hbm>>) dst(%dma_wait3A_779 : memref<128x32xf32, #tpu.memory_space<vmem>>)
      %dma_start3A_788 = arith.constant 9 : i32
      %dma_start3A_789 = arith.constant 9 : i32
      %dma_start3A_790 = arith.constant 0 : i32
      %dma_start3A_791 = arith.constant 0 : i32
      %dma_start3A_792 = tpu.memref_slice %arg9[%dma_start3A_788, %dma_start3A_790, %dma_start3A_791] : memref<10x128x32xf32, #tpu.memory_space<vmem>> -> memref<1x128x32xf32, #tpu.memory_space<vmem>>
      %dma_start3A_793 = tpu.memref_squeeze %dma_start3A_792 : memref<1x128x32xf32, #tpu.memory_space<vmem>> -> memref<128x32xf32, #tpu.memory_space<vmem>>
      %dma_start3A_794 = arith.constant 0 : i32
      %dma_start3A_795 = arith.constant 0 : i32
      %dma_start3A_796 = tpu.memref_slice %arg11[%dma_start3A_794, %dma_start3A_795] : memref<4096x32xf32, #tpu.memory_space<vmem_shared>> -> memref<4096x32xf32, #tpu.memory_space<vmem_shared>>
      %dma_start3A_797 = tpu.memref_slice %arg13[%dma_start3A_789] : memref<10x!tpu.dma_semaphore, #tpu.memory_space<semaphore_mem>> -> memref<1x!tpu.dma_semaphore, #tpu.memory_space<semaphore_mem>>
      %dma_start3A_798 = tpu.memref_squeeze %dma_start3A_797 : memref<1x!tpu.dma_semaphore, #tpu.memory_space<semaphore_mem>> -> memref<!tpu.dma_semaphore, #tpu.memory_space<semaphore_mem>>
      tpu.enqueue_indirect_dma source(%dma_start3A_793 : memref<128x32xf32, #tpu.memory_space<vmem>>) target(%dma_start3A_796 : memref<4096x32xf32, #tpu.memory_space<vmem_shared>>) offsets(%arg8 : memref<128xi32, #tpu.memory_space<vmem>>) semaphore(%dma_start3A_798 : memref<!tpu.dma_semaphore, #tpu.memory_space<semaphore_mem>>) {add = true}
      %dma_wait3A_799 = arith.constant 0 : i32
      %dma_wait3A_800 = arith.constant 0 : i32
      %dma_wait3A_801 = arith.constant 0 : i32
      %dma_wait3A_802 = arith.constant 0 : i32
      %dma_wait3A_803 = tpu.memref_slice %arg9[%dma_wait3A_799, %dma_wait3A_801, %dma_wait3A_802] : memref<10x128x32xf32, #tpu.memory_space<vmem>> -> memref<1x128x32xf32, #tpu.memory_space<vmem>>
      %dma_wait3A_804 = tpu.memref_squeeze %dma_wait3A_803 : memref<1x128x32xf32, #tpu.memory_space<vmem>> -> memref<128x32xf32, #tpu.memory_space<vmem>>
      %dma_wait3A_805 = arith.constant 0 : i32
      %dma_wait3A_806 = arith.constant 0 : i32
      %dma_wait3A_807 = tpu.memref_slice %arg11[%dma_wait3A_805, %dma_wait3A_806] : memref<4096x32xf32, #tpu.memory_space<vmem_shared>> -> memref<4096x32xf32, #tpu.memory_space<vmem_shared>>
      %dma_wait3A_808 = tpu.memref_slice %arg13[%dma_wait3A_800] : memref<10x!tpu.dma_semaphore, #tpu.memory_space<semaphore_mem>> -> memref<1x!tpu.dma_semaphore, #tpu.memory_space<semaphore_mem>>
      %dma_wait3A_809 = tpu.memref_squeeze %dma_wait3A_808 : memref<1x!tpu.dma_semaphore, #tpu.memory_space<semaphore_mem>> -> memref<!tpu.dma_semaphore, #tpu.memory_space<semaphore_mem>>
      tpu.wait_indirect_dma semaphore(%dma_wait3A_809 : memref<!tpu.dma_semaphore, #tpu.memory_space<semaphore_mem>>) src(%dma_wait3A_804 : memref<128x32xf32, #tpu.memory_space<vmem>>) dst(%dma_wait3A_807 : memref<4096x32xf32, #tpu.memory_space<vmem_shared>>)
      %add3A_810 = arith.constant 10 : i32
      %add3A_811 = arith.addi %mul3A_528, %add3A_810 : i32
      %add3A_812 = arith.constant 0 : i32
      %add3A_813 = arith.addi %add3A_811, %add3A_812 : i32
      %dma_start3A_814 = arith.constant 0 : i32
      %dma_start3A_815 = arith.constant 0 : i32
      %dma_start3A_816 = arith.constant 0 : i32
      %dma_start3A_817 = arith.constant 0 : i32
      %dma_start3A_818 = tpu.memref_slice %arg9[%dma_start3A_814, %dma_start3A_816, %dma_start3A_817] : memref<10x128x32xf32, #tpu.memory_space<vmem>> -> memref<1x128x32xf32, #tpu.memory_space<vmem>>
      %dma_start3A_819 = tpu.memref_squeeze %dma_start3A_818 : memref<1x128x32xf32, #tpu.memory_space<vmem>> -> memref<128x32xf32, #tpu.memory_space<vmem>>
      %dma_start3A_820 = arith.constant 0 : i32
      %dma_start3A_821 = tpu.memref_slice %arg7[%add3A_813, %dma_start3A_820] : memref<200x128xi32, #tpu.memory_space<vmem>> -> memref<1x128xi32, #tpu.memory_space<vmem>>
      %dma_start3A_822 = tpu.memref_squeeze %dma_start3A_821 : memref<1x128xi32, #tpu.memory_space<vmem>> -> memref<128xi32, #tpu.memory_space<vmem>>
      %dma_start3A_823 = arith.constant 0 : i32
      %dma_start3A_824 = arith.constant 0 : i32
      %dma_start3A_825 = tpu.memref_slice %arg2[%dma_start3A_823, %dma_start3A_824] : memref<106496x32xf32, #tpu.memory_space<hbm>> -> memref<106496x32xf32, #tpu.memory_space<hbm>>
      %dma_start3A_826 = tpu.memref_slice %arg12[%dma_start3A_815] : memref<10x!tpu.dma_semaphore, #tpu.memory_space<semaphore_mem>> -> memref<1x!tpu.dma_semaphore, #tpu.memory_space<semaphore_mem>>
      %dma_start3A_827 = tpu.memref_squeeze %dma_start3A_826 : memref<1x!tpu.dma_semaphore, #tpu.memory_space<semaphore_mem>> -> memref<!tpu.dma_semaphore, #tpu.memory_space<semaphore_mem>>
      tpu.enqueue_indirect_dma source(%dma_start3A_825 : memref<106496x32xf32, #tpu.memory_space<hbm>>) target(%dma_start3A_819 : memref<128x32xf32, #tpu.memory_space<vmem>>) offsets(%dma_start3A_822 : memref<128xi32, #tpu.memory_space<vmem>>) semaphore(%dma_start3A_827 : memref<!tpu.dma_semaphore, #tpu.memory_space<semaphore_mem>>)
      %dma_wait3A_828 = arith.constant 1 : i32
      %dma_wait3A_829 = arith.constant 1 : i32
      %dma_wait3A_830 = arith.constant 0 : i32
      %dma_wait3A_831 = arith.constant 0 : i32
      %dma_wait3A_832 = tpu.memref_slice %arg9[%dma_wait3A_828, %dma_wait3A_830, %dma_wait3A_831] : memref<10x128x32xf32, #tpu.memory_space<vmem>> -> memref<1x128x32xf32, #tpu.memory_space<vmem>>
      %dma_wait3A_833 = tpu.memref_squeeze %dma_wait3A_832 : memref<1x128x32xf32, #tpu.memory_space<vmem>> -> memref<128x32xf32, #tpu.memory_space<vmem>>
      %dma_wait3A_834 = arith.constant 0 : i32
      %dma_wait3A_835 = arith.constant 0 : i32
      %dma_wait3A_836 = tpu.memref_slice %arg11[%dma_wait3A_834, %dma_wait3A_835] : memref<4096x32xf32, #tpu.memory_space<vmem_shared>> -> memref<4096x32xf32, #tpu.memory_space<vmem_shared>>
      %dma_wait3A_837 = tpu.memref_slice %arg13[%dma_wait3A_829] : memref<10x!tpu.dma_semaphore, #tpu.memory_space<semaphore_mem>> -> memref<1x!tpu.dma_semaphore, #tpu.memory_space<semaphore_mem>>
      %dma_wait3A_838 = tpu.memref_squeeze %dma_wait3A_837 : memref<1x!tpu.dma_semaphore, #tpu.memory_space<semaphore_mem>> -> memref<!tpu.dma_semaphore, #tpu.memory_space<semaphore_mem>>
      tpu.wait_indirect_dma semaphore(%dma_wait3A_838 : memref<!tpu.dma_semaphore, #tpu.memory_space<semaphore_mem>>) src(%dma_wait3A_833 : memref<128x32xf32, #tpu.memory_space<vmem>>) dst(%dma_wait3A_836 : memref<4096x32xf32, #tpu.memory_space<vmem_shared>>)
      %add3A_839 = arith.constant 10 : i32
      %add3A_840 = arith.addi %mul3A_528, %add3A_839 : i32
      %add3A_841 = arith.constant 1 : i32
      %add3A_842 = arith.addi %add3A_840, %add3A_841 : i32
      %dma_start3A_843 = arith.constant 1 : i32
      %dma_start3A_844 = arith.constant 1 : i32
      %dma_start3A_845 = arith.constant 0 : i32
      %dma_start3A_846 = arith.constant 0 : i32
      %dma_start3A_847 = tpu.memref_slice %arg9[%dma_start3A_843, %dma_start3A_845, %dma_start3A_846] : memref<10x128x32xf32, #tpu.memory_space<vmem>> -> memref<1x128x32xf32, #tpu.memory_space<vmem>>
      %dma_start3A_848 = tpu.memref_squeeze %dma_start3A_847 : memref<1x128x32xf32, #tpu.memory_space<vmem>> -> memref<128x32xf32, #tpu.memory_space<vmem>>
      %dma_start3A_849 = arith.constant 0 : i32
      %dma_start3A_850 = tpu.memref_slice %arg7[%add3A_842, %dma_start3A_849] : memref<200x128xi32, #tpu.memory_space<vmem>> -> memref<1x128xi32, #tpu.memory_space<vmem>>
      %dma_start3A_851 = tpu.memref_squeeze %dma_start3A_850 : memref<1x128xi32, #tpu.memory_space<vmem>> -> memref<128xi32, #tpu.memory_space<vmem>>
      %dma_start3A_852 = arith.constant 0 : i32
      %dma_start3A_853 = arith.constant 0 : i32
      %dma_start3A_854 = tpu.memref_slice %arg2[%dma_start3A_852, %dma_start3A_853] : memref<106496x32xf32, #tpu.memory_space<hbm>> -> memref<106496x32xf32, #tpu.memory_space<hbm>>
      %dma_start3A_855 = tpu.memref_slice %arg12[%dma_start3A_844] : memref<10x!tpu.dma_semaphore, #tpu.memory_space<semaphore_mem>> -> memref<1x!tpu.dma_semaphore, #tpu.memory_space<semaphore_mem>>
      %dma_start3A_856 = tpu.memref_squeeze %dma_start3A_855 : memref<1x!tpu.dma_semaphore, #tpu.memory_space<semaphore_mem>> -> memref<!tpu.dma_semaphore, #tpu.memory_space<semaphore_mem>>
      tpu.enqueue_indirect_dma source(%dma_start3A_854 : memref<106496x32xf32, #tpu.memory_space<hbm>>) target(%dma_start3A_848 : memref<128x32xf32, #tpu.memory_space<vmem>>) offsets(%dma_start3A_851 : memref<128xi32, #tpu.memory_space<vmem>>) semaphore(%dma_start3A_856 : memref<!tpu.dma_semaphore, #tpu.memory_space<semaphore_mem>>)
      %dma_wait3A_857 = arith.constant 2 : i32
      %dma_wait3A_858 = arith.constant 2 : i32
      %dma_wait3A_859 = arith.constant 0 : i32
      %dma_wait3A_860 = arith.constant 0 : i32
      %dma_wait3A_861 = tpu.memref_slice %arg9[%dma_wait3A_857, %dma_wait3A_859, %dma_wait3A_860] : memref<10x128x32xf32, #tpu.memory_space<vmem>> -> memref<1x128x32xf32, #tpu.memory_space<vmem>>
      %dma_wait3A_862 = tpu.memref_squeeze %dma_wait3A_861 : memref<1x128x32xf32, #tpu.memory_space<vmem>> -> memref<128x32xf32, #tpu.memory_space<vmem>>
      %dma_wait3A_863 = arith.constant 0 : i32
      %dma_wait3A_864 = arith.constant 0 : i32
      %dma_wait3A_865 = tpu.memref_slice %arg11[%dma_wait3A_863, %dma_wait3A_864] : memref<4096x32xf32, #tpu.memory_space<vmem_shared>> -> memref<4096x32xf32, #tpu.memory_space<vmem_shared>>
      %dma_wait3A_866 = tpu.memref_slice %arg13[%dma_wait3A_858] : memref<10x!tpu.dma_semaphore, #tpu.memory_space<semaphore_mem>> -> memref<1x!tpu.dma_semaphore, #tpu.memory_space<semaphore_mem>>
      %dma_wait3A_867 = tpu.memref_squeeze %dma_wait3A_866 : memref<1x!tpu.dma_semaphore, #tpu.memory_space<semaphore_mem>> -> memref<!tpu.dma_semaphore, #tpu.memory_space<semaphore_mem>>
      tpu.wait_indirect_dma semaphore(%dma_wait3A_867 : memref<!tpu.dma_semaphore, #tpu.memory_space<semaphore_mem>>) src(%dma_wait3A_862 : memref<128x32xf32, #tpu.memory_space<vmem>>) dst(%dma_wait3A_865 : memref<4096x32xf32, #tpu.memory_space<vmem_shared>>)
      %add3A_868 = arith.constant 10 : i32
      %add3A_869 = arith.addi %mul3A_528, %add3A_868 : i32
      %add3A_870 = arith.constant 2 : i32
      %add3A_871 = arith.addi %add3A_869, %add3A_870 : i32
      %dma_start3A_872 = arith.constant 2 : i32
      %dma_start3A_873 = arith.constant 2 : i32
      %dma_start3A_874 = arith.constant 0 : i32
      %dma_start3A_875 = arith.constant 0 : i32
      %dma_start3A_876 = tpu.memref_slice %arg9[%dma_start3A_872, %dma_start3A_874, %dma_start3A_875] : memref<10x128x32xf32, #tpu.memory_space<vmem>> -> memref<1x128x32xf32, #tpu.memory_space<vmem>>
      %dma_start3A_877 = tpu.memref_squeeze %dma_start3A_876 : memref<1x128x32xf32, #tpu.memory_space<vmem>> -> memref<128x32xf32, #tpu.memory_space<vmem>>
      %dma_start3A_878 = arith.constant 0 : i32
      %dma_start3A_879 = tpu.memref_slice %arg7[%add3A_871, %dma_start3A_878] : memref<200x128xi32, #tpu.memory_space<vmem>> -> memref<1x128xi32, #tpu.memory_space<vmem>>
      %dma_start3A_880 = tpu.memref_squeeze %dma_start3A_879 : memref<1x128xi32, #tpu.memory_space<vmem>> -> memref<128xi32, #tpu.memory_space<vmem>>
      %dma_start3A_881 = arith.constant 0 : i32
      %dma_start3A_882 = arith.constant 0 : i32
      %dma_start3A_883 = tpu.memref_slice %arg2[%dma_start3A_881, %dma_start3A_882] : memref<106496x32xf32, #tpu.memory_space<hbm>> -> memref<106496x32xf32, #tpu.memory_space<hbm>>
      %dma_start3A_884 = tpu.memref_slice %arg12[%dma_start3A_873] : memref<10x!tpu.dma_semaphore, #tpu.memory_space<semaphore_mem>> -> memref<1x!tpu.dma_semaphore, #tpu.memory_space<semaphore_mem>>
      %dma_start3A_885 = tpu.memref_squeeze %dma_start3A_884 : memref<1x!tpu.dma_semaphore, #tpu.memory_space<semaphore_mem>> -> memref<!tpu.dma_semaphore, #tpu.memory_space<semaphore_mem>>
      tpu.enqueue_indirect_dma source(%dma_start3A_883 : memref<106496x32xf32, #tpu.memory_space<hbm>>) target(%dma_start3A_877 : memref<128x32xf32, #tpu.memory_space<vmem>>) offsets(%dma_start3A_880 : memref<128xi32, #tpu.memory_space<vmem>>) semaphore(%dma_start3A_885 : memref<!tpu.dma_semaphore, #tpu.memory_space<semaphore_mem>>)
      %dma_wait3A_886 = arith.constant 3 : i32
      %dma_wait3A_887 = arith.constant 3 : i32
      %dma_wait3A_888 = arith.constant 0 : i32
      %dma_wait3A_889 = arith.constant 0 : i32
      %dma_wait3A_890 = tpu.memref_slice %arg9[%dma_wait3A_886, %dma_wait3A_888, %dma_wait3A_889] : memref<10x128x32xf32, #tpu.memory_space<vmem>> -> memref<1x128x32xf32, #tpu.memory_space<vmem>>
      %dma_wait3A_891 = tpu.memref_squeeze %dma_wait3A_890 : memref<1x128x32xf32, #tpu.memory_space<vmem>> -> memref<128x32xf32, #tpu.memory_space<vmem>>
      %dma_wait3A_892 = arith.constant 0 : i32
      %dma_wait3A_893 = arith.constant 0 : i32
      %dma_wait3A_894 = tpu.memref_slice %arg11[%dma_wait3A_892, %dma_wait3A_893] : memref<4096x32xf32, #tpu.memory_space<vmem_shared>> -> memref<4096x32xf32, #tpu.memory_space<vmem_shared>>
      %dma_wait3A_895 = tpu.memref_slice %arg13[%dma_wait3A_887] : memref<10x!tpu.dma_semaphore, #tpu.memory_space<semaphore_mem>> -> memref<1x!tpu.dma_semaphore, #tpu.memory_space<semaphore_mem>>
      %dma_wait3A_896 = tpu.memref_squeeze %dma_wait3A_895 : memref<1x!tpu.dma_semaphore, #tpu.memory_space<semaphore_mem>> -> memref<!tpu.dma_semaphore, #tpu.memory_space<semaphore_mem>>
      tpu.wait_indirect_dma semaphore(%dma_wait3A_896 : memref<!tpu.dma_semaphore, #tpu.memory_space<semaphore_mem>>) src(%dma_wait3A_891 : memref<128x32xf32, #tpu.memory_space<vmem>>) dst(%dma_wait3A_894 : memref<4096x32xf32, #tpu.memory_space<vmem_shared>>)
      %add3A_897 = arith.constant 10 : i32
      %add3A_898 = arith.addi %mul3A_528, %add3A_897 : i32
      %add3A_899 = arith.constant 3 : i32
      %add3A_900 = arith.addi %add3A_898, %add3A_899 : i32
      %dma_start3A_901 = arith.constant 3 : i32
      %dma_start3A_902 = arith.constant 3 : i32
      %dma_start3A_903 = arith.constant 0 : i32
      %dma_start3A_904 = arith.constant 0 : i32
      %dma_start3A_905 = tpu.memref_slice %arg9[%dma_start3A_901, %dma_start3A_903, %dma_start3A_904] : memref<10x128x32xf32, #tpu.memory_space<vmem>> -> memref<1x128x32xf32, #tpu.memory_space<vmem>>
      %dma_start3A_906 = tpu.memref_squeeze %dma_start3A_905 : memref<1x128x32xf32, #tpu.memory_space<vmem>> -> memref<128x32xf32, #tpu.memory_space<vmem>>
      %dma_start3A_907 = arith.constant 0 : i32
      %dma_start3A_908 = tpu.memref_slice %arg7[%add3A_900, %dma_start3A_907] : memref<200x128xi32, #tpu.memory_space<vmem>> -> memref<1x128xi32, #tpu.memory_space<vmem>>
      %dma_start3A_909 = tpu.memref_squeeze %dma_start3A_908 : memref<1x128xi32, #tpu.memory_space<vmem>> -> memref<128xi32, #tpu.memory_space<vmem>>
      %dma_start3A_910 = arith.constant 0 : i32
      %dma_start3A_911 = arith.constant 0 : i32
      %dma_start3A_912 = tpu.memref_slice %arg2[%dma_start3A_910, %dma_start3A_911] : memref<106496x32xf32, #tpu.memory_space<hbm>> -> memref<106496x32xf32, #tpu.memory_space<hbm>>
      %dma_start3A_913 = tpu.memref_slice %arg12[%dma_start3A_902] : memref<10x!tpu.dma_semaphore, #tpu.memory_space<semaphore_mem>> -> memref<1x!tpu.dma_semaphore, #tpu.memory_space<semaphore_mem>>
      %dma_start3A_914 = tpu.memref_squeeze %dma_start3A_913 : memref<1x!tpu.dma_semaphore, #tpu.memory_space<semaphore_mem>> -> memref<!tpu.dma_semaphore, #tpu.memory_space<semaphore_mem>>
      tpu.enqueue_indirect_dma source(%dma_start3A_912 : memref<106496x32xf32, #tpu.memory_space<hbm>>) target(%dma_start3A_906 : memref<128x32xf32, #tpu.memory_space<vmem>>) offsets(%dma_start3A_909 : memref<128xi32, #tpu.memory_space<vmem>>) semaphore(%dma_start3A_914 : memref<!tpu.dma_semaphore, #tpu.memory_space<semaphore_mem>>)
      %dma_wait3A_915 = arith.constant 4 : i32
      %dma_wait3A_916 = arith.constant 4 : i32
      %dma_wait3A_917 = arith.constant 0 : i32
      %dma_wait3A_918 = arith.constant 0 : i32
      %dma_wait3A_919 = tpu.memref_slice %arg9[%dma_wait3A_915, %dma_wait3A_917, %dma_wait3A_918] : memref<10x128x32xf32, #tpu.memory_space<vmem>> -> memref<1x128x32xf32, #tpu.memory_space<vmem>>
      %dma_wait3A_920 = tpu.memref_squeeze %dma_wait3A_919 : memref<1x128x32xf32, #tpu.memory_space<vmem>> -> memref<128x32xf32, #tpu.memory_space<vmem>>
      %dma_wait3A_921 = arith.constant 0 : i32
      %dma_wait3A_922 = arith.constant 0 : i32
      %dma_wait3A_923 = tpu.memref_slice %arg11[%dma_wait3A_921, %dma_wait3A_922] : memref<4096x32xf32, #tpu.memory_space<vmem_shared>> -> memref<4096x32xf32, #tpu.memory_space<vmem_shared>>
      %dma_wait3A_924 = tpu.memref_slice %arg13[%dma_wait3A_916] : memref<10x!tpu.dma_semaphore, #tpu.memory_space<semaphore_mem>> -> memref<1x!tpu.dma_semaphore, #tpu.memory_space<semaphore_mem>>
      %dma_wait3A_925 = tpu.memref_squeeze %dma_wait3A_924 : memref<1x!tpu.dma_semaphore, #tpu.memory_space<semaphore_mem>> -> memref<!tpu.dma_semaphore, #tpu.memory_space<semaphore_mem>>
      tpu.wait_indirect_dma semaphore(%dma_wait3A_925 : memref<!tpu.dma_semaphore, #tpu.memory_space<semaphore_mem>>) src(%dma_wait3A_920 : memref<128x32xf32, #tpu.memory_space<vmem>>) dst(%dma_wait3A_923 : memref<4096x32xf32, #tpu.memory_space<vmem_shared>>)
      %add3A_926 = arith.constant 10 : i32
      %add3A_927 = arith.addi %mul3A_528, %add3A_926 : i32
      %add3A_928 = arith.constant 4 : i32
      %add3A_929 = arith.addi %add3A_927, %add3A_928 : i32
      %dma_start3A_930 = arith.constant 4 : i32
      %dma_start3A_931 = arith.constant 4 : i32
      %dma_start3A_932 = arith.constant 0 : i32
      %dma_start3A_933 = arith.constant 0 : i32
      %dma_start3A_934 = tpu.memref_slice %arg9[%dma_start3A_930, %dma_start3A_932, %dma_start3A_933] : memref<10x128x32xf32, #tpu.memory_space<vmem>> -> memref<1x128x32xf32, #tpu.memory_space<vmem>>
      %dma_start3A_935 = tpu.memref_squeeze %dma_start3A_934 : memref<1x128x32xf32, #tpu.memory_space<vmem>> -> memref<128x32xf32, #tpu.memory_space<vmem>>
      %dma_start3A_936 = arith.constant 0 : i32
      %dma_start3A_937 = tpu.memref_slice %arg7[%add3A_929, %dma_start3A_936] : memref<200x128xi32, #tpu.memory_space<vmem>> -> memref<1x128xi32, #tpu.memory_space<vmem>>
      %dma_start3A_938 = tpu.memref_squeeze %dma_start3A_937 : memref<1x128xi32, #tpu.memory_space<vmem>> -> memref<128xi32, #tpu.memory_space<vmem>>
      %dma_start3A_939 = arith.constant 0 : i32
      %dma_start3A_940 = arith.constant 0 : i32
      %dma_start3A_941 = tpu.memref_slice %arg2[%dma_start3A_939, %dma_start3A_940] : memref<106496x32xf32, #tpu.memory_space<hbm>> -> memref<106496x32xf32, #tpu.memory_space<hbm>>
      %dma_start3A_942 = tpu.memref_slice %arg12[%dma_start3A_931] : memref<10x!tpu.dma_semaphore, #tpu.memory_space<semaphore_mem>> -> memref<1x!tpu.dma_semaphore, #tpu.memory_space<semaphore_mem>>
      %dma_start3A_943 = tpu.memref_squeeze %dma_start3A_942 : memref<1x!tpu.dma_semaphore, #tpu.memory_space<semaphore_mem>> -> memref<!tpu.dma_semaphore, #tpu.memory_space<semaphore_mem>>
      tpu.enqueue_indirect_dma source(%dma_start3A_941 : memref<106496x32xf32, #tpu.memory_space<hbm>>) target(%dma_start3A_935 : memref<128x32xf32, #tpu.memory_space<vmem>>) offsets(%dma_start3A_938 : memref<128xi32, #tpu.memory_space<vmem>>) semaphore(%dma_start3A_943 : memref<!tpu.dma_semaphore, #tpu.memory_space<semaphore_mem>>)
      %dma_wait3A_944 = arith.constant 5 : i32
      %dma_wait3A_945 = arith.constant 5 : i32
      %dma_wait3A_946 = arith.constant 0 : i32
      %dma_wait3A_947 = arith.constant 0 : i32
      %dma_wait3A_948 = tpu.memref_slice %arg9[%dma_wait3A_944, %dma_wait3A_946, %dma_wait3A_947] : memref<10x128x32xf32, #tpu.memory_space<vmem>> -> memref<1x128x32xf32, #tpu.memory_space<vmem>>
      %dma_wait3A_949 = tpu.memref_squeeze %dma_wait3A_948 : memref<1x128x32xf32, #tpu.memory_space<vmem>> -> memref<128x32xf32, #tpu.memory_space<vmem>>
      %dma_wait3A_950 = arith.constant 0 : i32
      %dma_wait3A_951 = arith.constant 0 : i32
      %dma_wait3A_952 = tpu.memref_slice %arg11[%dma_wait3A_950, %dma_wait3A_951] : memref<4096x32xf32, #tpu.memory_space<vmem_shared>> -> memref<4096x32xf32, #tpu.memory_space<vmem_shared>>
      %dma_wait3A_953 = tpu.memref_slice %arg13[%dma_wait3A_945] : memref<10x!tpu.dma_semaphore, #tpu.memory_space<semaphore_mem>> -> memref<1x!tpu.dma_semaphore, #tpu.memory_space<semaphore_mem>>
      %dma_wait3A_954 = tpu.memref_squeeze %dma_wait3A_953 : memref<1x!tpu.dma_semaphore, #tpu.memory_space<semaphore_mem>> -> memref<!tpu.dma_semaphore, #tpu.memory_space<semaphore_mem>>
      tpu.wait_indirect_dma semaphore(%dma_wait3A_954 : memref<!tpu.dma_semaphore, #tpu.memory_space<semaphore_mem>>) src(%dma_wait3A_949 : memref<128x32xf32, #tpu.memory_space<vmem>>) dst(%dma_wait3A_952 : memref<4096x32xf32, #tpu.memory_space<vmem_shared>>)
      %add3A_955 = arith.constant 10 : i32
      %add3A_956 = arith.addi %mul3A_528, %add3A_955 : i32
      %add3A_957 = arith.constant 5 : i32
      %add3A_958 = arith.addi %add3A_956, %add3A_957 : i32
      %dma_start3A_959 = arith.constant 5 : i32
      %dma_start3A_960 = arith.constant 5 : i32
      %dma_start3A_961 = arith.constant 0 : i32
      %dma_start3A_962 = arith.constant 0 : i32
      %dma_start3A_963 = tpu.memref_slice %arg9[%dma_start3A_959, %dma_start3A_961, %dma_start3A_962] : memref<10x128x32xf32, #tpu.memory_space<vmem>> -> memref<1x128x32xf32, #tpu.memory_space<vmem>>
      %dma_start3A_964 = tpu.memref_squeeze %dma_start3A_963 : memref<1x128x32xf32, #tpu.memory_space<vmem>> -> memref<128x32xf32, #tpu.memory_space<vmem>>
      %dma_start3A_965 = arith.constant 0 : i32
      %dma_start3A_966 = tpu.memref_slice %arg7[%add3A_958, %dma_start3A_965] : memref<200x128xi32, #tpu.memory_space<vmem>> -> memref<1x128xi32, #tpu.memory_space<vmem>>
      %dma_start3A_967 = tpu.memref_squeeze %dma_start3A_966 : memref<1x128xi32, #tpu.memory_space<vmem>> -> memref<128xi32, #tpu.memory_space<vmem>>
      %dma_start3A_968 = arith.constant 0 : i32
      %dma_start3A_969 = arith.constant 0 : i32
      %dma_start3A_970 = tpu.memref_slice %arg2[%dma_start3A_968, %dma_start3A_969] : memref<106496x32xf32, #tpu.memory_space<hbm>> -> memref<106496x32xf32, #tpu.memory_space<hbm>>
      %dma_start3A_971 = tpu.memref_slice %arg12[%dma_start3A_960] : memref<10x!tpu.dma_semaphore, #tpu.memory_space<semaphore_mem>> -> memref<1x!tpu.dma_semaphore, #tpu.memory_space<semaphore_mem>>
      %dma_start3A_972 = tpu.memref_squeeze %dma_start3A_971 : memref<1x!tpu.dma_semaphore, #tpu.memory_space<semaphore_mem>> -> memref<!tpu.dma_semaphore, #tpu.memory_space<semaphore_mem>>
      tpu.enqueue_indirect_dma source(%dma_start3A_970 : memref<106496x32xf32, #tpu.memory_space<hbm>>) target(%dma_start3A_964 : memref<128x32xf32, #tpu.memory_space<vmem>>) offsets(%dma_start3A_967 : memref<128xi32, #tpu.memory_space<vmem>>) semaphore(%dma_start3A_972 : memref<!tpu.dma_semaphore, #tpu.memory_space<semaphore_mem>>)
      %dma_wait3A_973 = arith.constant 6 : i32
      %dma_wait3A_974 = arith.constant 6 : i32
      %dma_wait3A_975 = arith.constant 0 : i32
      %dma_wait3A_976 = arith.constant 0 : i32
      %dma_wait3A_977 = tpu.memref_slice %arg9[%dma_wait3A_973, %dma_wait3A_975, %dma_wait3A_976] : memref<10x128x32xf32, #tpu.memory_space<vmem>> -> memref<1x128x32xf32, #tpu.memory_space<vmem>>
      %dma_wait3A_978 = tpu.memref_squeeze %dma_wait3A_977 : memref<1x128x32xf32, #tpu.memory_space<vmem>> -> memref<128x32xf32, #tpu.memory_space<vmem>>
      %dma_wait3A_979 = arith.constant 0 : i32
      %dma_wait3A_980 = arith.constant 0 : i32
      %dma_wait3A_981 = tpu.memref_slice %arg11[%dma_wait3A_979, %dma_wait3A_980] : memref<4096x32xf32, #tpu.memory_space<vmem_shared>> -> memref<4096x32xf32, #tpu.memory_space<vmem_shared>>
      %dma_wait3A_982 = tpu.memref_slice %arg13[%dma_wait3A_974] : memref<10x!tpu.dma_semaphore, #tpu.memory_space<semaphore_mem>> -> memref<1x!tpu.dma_semaphore, #tpu.memory_space<semaphore_mem>>
      %dma_wait3A_983 = tpu.memref_squeeze %dma_wait3A_982 : memref<1x!tpu.dma_semaphore, #tpu.memory_space<semaphore_mem>> -> memref<!tpu.dma_semaphore, #tpu.memory_space<semaphore_mem>>
      tpu.wait_indirect_dma semaphore(%dma_wait3A_983 : memref<!tpu.dma_semaphore, #tpu.memory_space<semaphore_mem>>) src(%dma_wait3A_978 : memref<128x32xf32, #tpu.memory_space<vmem>>) dst(%dma_wait3A_981 : memref<4096x32xf32, #tpu.memory_space<vmem_shared>>)
      %add3A_984 = arith.constant 10 : i32
      %add3A_985 = arith.addi %mul3A_528, %add3A_984 : i32
      %add3A_986 = arith.constant 6 : i32
      %add3A_987 = arith.addi %add3A_985, %add3A_986 : i32
      %dma_start3A_988 = arith.constant 6 : i32
      %dma_start3A_989 = arith.constant 6 : i32
      %dma_start3A_990 = arith.constant 0 : i32
      %dma_start3A_991 = arith.constant 0 : i32
      %dma_start3A_992 = tpu.memref_slice %arg9[%dma_start3A_988, %dma_start3A_990, %dma_start3A_991] : memref<10x128x32xf32, #tpu.memory_space<vmem>> -> memref<1x128x32xf32, #tpu.memory_space<vmem>>
      %dma_start3A_993 = tpu.memref_squeeze %dma_start3A_992 : memref<1x128x32xf32, #tpu.memory_space<vmem>> -> memref<128x32xf32, #tpu.memory_space<vmem>>
      %dma_start3A_994 = arith.constant 0 : i32
      %dma_start3A_995 = tpu.memref_slice %arg7[%add3A_987, %dma_start3A_994] : memref<200x128xi32, #tpu.memory_space<vmem>> -> memref<1x128xi32, #tpu.memory_space<vmem>>
      %dma_start3A_996 = tpu.memref_squeeze %dma_start3A_995 : memref<1x128xi32, #tpu.memory_space<vmem>> -> memref<128xi32, #tpu.memory_space<vmem>>
      %dma_start3A_997 = arith.constant 0 : i32
      %dma_start3A_998 = arith.constant 0 : i32
      %dma_start3A_999 = tpu.memref_slice %arg2[%dma_start3A_997, %dma_start3A_998] : memref<106496x32xf32, #tpu.memory_space<hbm>> -> memref<106496x32xf32, #tpu.memory_space<hbm>>
      %dma_start3A_1000 = tpu.memref_slice %arg12[%dma_start3A_989] : memref<10x!tpu.dma_semaphore, #tpu.memory_space<semaphore_mem>> -> memref<1x!tpu.dma_semaphore, #tpu.memory_space<semaphore_mem>>
      %dma_start3A_1001 = tpu.memref_squeeze %dma_start3A_1000 : memref<1x!tpu.dma_semaphore, #tpu.memory_space<semaphore_mem>> -> memref<!tpu.dma_semaphore, #tpu.memory_space<semaphore_mem>>
      tpu.enqueue_indirect_dma source(%dma_start3A_999 : memref<106496x32xf32, #tpu.memory_space<hbm>>) target(%dma_start3A_993 : memref<128x32xf32, #tpu.memory_space<vmem>>) offsets(%dma_start3A_996 : memref<128xi32, #tpu.memory_space<vmem>>) semaphore(%dma_start3A_1001 : memref<!tpu.dma_semaphore, #tpu.memory_space<semaphore_mem>>)
      %dma_wait3A_1002 = arith.constant 7 : i32
      %dma_wait3A_1003 = arith.constant 7 : i32
      %dma_wait3A_1004 = arith.constant 0 : i32
      %dma_wait3A_1005 = arith.constant 0 : i32
      %dma_wait3A_1006 = tpu.memref_slice %arg9[%dma_wait3A_1002, %dma_wait3A_1004, %dma_wait3A_1005] : memref<10x128x32xf32, #tpu.memory_space<vmem>> -> memref<1x128x32xf32, #tpu.memory_space<vmem>>
      %dma_wait3A_1007 = tpu.memref_squeeze %dma_wait3A_1006 : memref<1x128x32xf32, #tpu.memory_space<vmem>> -> memref<128x32xf32, #tpu.memory_space<vmem>>
      %dma_wait3A_1008 = arith.constant 0 : i32
      %dma_wait3A_1009 = arith.constant 0 : i32
      %dma_wait3A_1010 = tpu.memref_slice %arg11[%dma_wait3A_1008, %dma_wait3A_1009] : memref<4096x32xf32, #tpu.memory_space<vmem_shared>> -> memref<4096x32xf32, #tpu.memory_space<vmem_shared>>
      %dma_wait3A_1011 = tpu.memref_slice %arg13[%dma_wait3A_1003] : memref<10x!tpu.dma_semaphore, #tpu.memory_space<semaphore_mem>> -> memref<1x!tpu.dma_semaphore, #tpu.memory_space<semaphore_mem>>
      %dma_wait3A_1012 = tpu.memref_squeeze %dma_wait3A_1011 : memref<1x!tpu.dma_semaphore, #tpu.memory_space<semaphore_mem>> -> memref<!tpu.dma_semaphore, #tpu.memory_space<semaphore_mem>>
      tpu.wait_indirect_dma semaphore(%dma_wait3A_1012 : memref<!tpu.dma_semaphore, #tpu.memory_space<semaphore_mem>>) src(%dma_wait3A_1007 : memref<128x32xf32, #tpu.memory_space<vmem>>) dst(%dma_wait3A_1010 : memref<4096x32xf32, #tpu.memory_space<vmem_shared>>)
      %add3A_1013 = arith.constant 10 : i32
      %add3A_1014 = arith.addi %mul3A_528, %add3A_1013 : i32
      %add3A_1015 = arith.constant 7 : i32
      %add3A_1016 = arith.addi %add3A_1014, %add3A_1015 : i32
      %dma_start3A_1017 = arith.constant 7 : i32
      %dma_start3A_1018 = arith.constant 7 : i32
      %dma_start3A_1019 = arith.constant 0 : i32
      %dma_start3A_1020 = arith.constant 0 : i32
      %dma_start3A_1021 = tpu.memref_slice %arg9[%dma_start3A_1017, %dma_start3A_1019, %dma_start3A_1020] : memref<10x128x32xf32, #tpu.memory_space<vmem>> -> memref<1x128x32xf32, #tpu.memory_space<vmem>>
      %dma_start3A_1022 = tpu.memref_squeeze %dma_start3A_1021 : memref<1x128x32xf32, #tpu.memory_space<vmem>> -> memref<128x32xf32, #tpu.memory_space<vmem>>
      %dma_start3A_1023 = arith.constant 0 : i32
      %dma_start3A_1024 = tpu.memref_slice %arg7[%add3A_1016, %dma_start3A_1023] : memref<200x128xi32, #tpu.memory_space<vmem>> -> memref<1x128xi32, #tpu.memory_space<vmem>>
      %dma_start3A_1025 = tpu.memref_squeeze %dma_start3A_1024 : memref<1x128xi32, #tpu.memory_space<vmem>> -> memref<128xi32, #tpu.memory_space<vmem>>
      %dma_start3A_1026 = arith.constant 0 : i32
      %dma_start3A_1027 = arith.constant 0 : i32
      %dma_start3A_1028 = tpu.memref_slice %arg2[%dma_start3A_1026, %dma_start3A_1027] : memref<106496x32xf32, #tpu.memory_space<hbm>> -> memref<106496x32xf32, #tpu.memory_space<hbm>>
      %dma_start3A_1029 = tpu.memref_slice %arg12[%dma_start3A_1018] : memref<10x!tpu.dma_semaphore, #tpu.memory_space<semaphore_mem>> -> memref<1x!tpu.dma_semaphore, #tpu.memory_space<semaphore_mem>>
      %dma_start3A_1030 = tpu.memref_squeeze %dma_start3A_1029 : memref<1x!tpu.dma_semaphore, #tpu.memory_space<semaphore_mem>> -> memref<!tpu.dma_semaphore, #tpu.memory_space<semaphore_mem>>
      tpu.enqueue_indirect_dma source(%dma_start3A_1028 : memref<106496x32xf32, #tpu.memory_space<hbm>>) target(%dma_start3A_1022 : memref<128x32xf32, #tpu.memory_space<vmem>>) offsets(%dma_start3A_1025 : memref<128xi32, #tpu.memory_space<vmem>>) semaphore(%dma_start3A_1030 : memref<!tpu.dma_semaphore, #tpu.memory_space<semaphore_mem>>)
      %dma_wait3A_1031 = arith.constant 8 : i32
      %dma_wait3A_1032 = arith.constant 8 : i32
      %dma_wait3A_1033 = arith.constant 0 : i32
      %dma_wait3A_1034 = arith.constant 0 : i32
      %dma_wait3A_1035 = tpu.memref_slice %arg9[%dma_wait3A_1031, %dma_wait3A_1033, %dma_wait3A_1034] : memref<10x128x32xf32, #tpu.memory_space<vmem>> -> memref<1x128x32xf32, #tpu.memory_space<vmem>>
      %dma_wait3A_1036 = tpu.memref_squeeze %dma_wait3A_1035 : memref<1x128x32xf32, #tpu.memory_space<vmem>> -> memref<128x32xf32, #tpu.memory_space<vmem>>
      %dma_wait3A_1037 = arith.constant 0 : i32
      %dma_wait3A_1038 = arith.constant 0 : i32
      %dma_wait3A_1039 = tpu.memref_slice %arg11[%dma_wait3A_1037, %dma_wait3A_1038] : memref<4096x32xf32, #tpu.memory_space<vmem_shared>> -> memref<4096x32xf32, #tpu.memory_space<vmem_shared>>
      %dma_wait3A_1040 = tpu.memref_slice %arg13[%dma_wait3A_1032] : memref<10x!tpu.dma_semaphore, #tpu.memory_space<semaphore_mem>> -> memref<1x!tpu.dma_semaphore, #tpu.memory_space<semaphore_mem>>
      %dma_wait3A_1041 = tpu.memref_squeeze %dma_wait3A_1040 : memref<1x!tpu.dma_semaphore, #tpu.memory_space<semaphore_mem>> -> memref<!tpu.dma_semaphore, #tpu.memory_space<semaphore_mem>>
      tpu.wait_indirect_dma semaphore(%dma_wait3A_1041 : memref<!tpu.dma_semaphore, #tpu.memory_space<semaphore_mem>>) src(%dma_wait3A_1036 : memref<128x32xf32, #tpu.memory_space<vmem>>) dst(%dma_wait3A_1039 : memref<4096x32xf32, #tpu.memory_space<vmem_shared>>)
      %add3A_1042 = arith.constant 10 : i32
      %add3A_1043 = arith.addi %mul3A_528, %add3A_1042 : i32
      %add3A_1044 = arith.constant 8 : i32
      %add3A_1045 = arith.addi %add3A_1043, %add3A_1044 : i32
      %dma_start3A_1046 = arith.constant 8 : i32
      %dma_start3A_1047 = arith.constant 8 : i32
      %dma_start3A_1048 = arith.constant 0 : i32
      %dma_start3A_1049 = arith.constant 0 : i32
      %dma_start3A_1050 = tpu.memref_slice %arg9[%dma_start3A_1046, %dma_start3A_1048, %dma_start3A_1049] : memref<10x128x32xf32, #tpu.memory_space<vmem>> -> memref<1x128x32xf32, #tpu.memory_space<vmem>>
      %dma_start3A_1051 = tpu.memref_squeeze %dma_start3A_1050 : memref<1x128x32xf32, #tpu.memory_space<vmem>> -> memref<128x32xf32, #tpu.memory_space<vmem>>
      %dma_start3A_1052 = arith.constant 0 : i32
      %dma_start3A_1053 = tpu.memref_slice %arg7[%add3A_1045, %dma_start3A_1052] : memref<200x128xi32, #tpu.memory_space<vmem>> -> memref<1x128xi32, #tpu.memory_space<vmem>>
      %dma_start3A_1054 = tpu.memref_squeeze %dma_start3A_1053 : memref<1x128xi32, #tpu.memory_space<vmem>> -> memref<128xi32, #tpu.memory_space<vmem>>
      %dma_start3A_1055 = arith.constant 0 : i32
      %dma_start3A_1056 = arith.constant 0 : i32
      %dma_start3A_1057 = tpu.memref_slice %arg2[%dma_start3A_1055, %dma_start3A_1056] : memref<106496x32xf32, #tpu.memory_space<hbm>> -> memref<106496x32xf32, #tpu.memory_space<hbm>>
      %dma_start3A_1058 = tpu.memref_slice %arg12[%dma_start3A_1047] : memref<10x!tpu.dma_semaphore, #tpu.memory_space<semaphore_mem>> -> memref<1x!tpu.dma_semaphore, #tpu.memory_space<semaphore_mem>>
      %dma_start3A_1059 = tpu.memref_squeeze %dma_start3A_1058 : memref<1x!tpu.dma_semaphore, #tpu.memory_space<semaphore_mem>> -> memref<!tpu.dma_semaphore, #tpu.memory_space<semaphore_mem>>
      tpu.enqueue_indirect_dma source(%dma_start3A_1057 : memref<106496x32xf32, #tpu.memory_space<hbm>>) target(%dma_start3A_1051 : memref<128x32xf32, #tpu.memory_space<vmem>>) offsets(%dma_start3A_1054 : memref<128xi32, #tpu.memory_space<vmem>>) semaphore(%dma_start3A_1059 : memref<!tpu.dma_semaphore, #tpu.memory_space<semaphore_mem>>)
      %dma_wait3A_1060 = arith.constant 9 : i32
      %dma_wait3A_1061 = arith.constant 9 : i32
      %dma_wait3A_1062 = arith.constant 0 : i32
      %dma_wait3A_1063 = arith.constant 0 : i32
      %dma_wait3A_1064 = tpu.memref_slice %arg9[%dma_wait3A_1060, %dma_wait3A_1062, %dma_wait3A_1063] : memref<10x128x32xf32, #tpu.memory_space<vmem>> -> memref<1x128x32xf32, #tpu.memory_space<vmem>>
      %dma_wait3A_1065 = tpu.memref_squeeze %dma_wait3A_1064 : memref<1x128x32xf32, #tpu.memory_space<vmem>> -> memref<128x32xf32, #tpu.memory_space<vmem>>
      %dma_wait3A_1066 = arith.constant 0 : i32
      %dma_wait3A_1067 = arith.constant 0 : i32
      %dma_wait3A_1068 = tpu.memref_slice %arg11[%dma_wait3A_1066, %dma_wait3A_1067] : memref<4096x32xf32, #tpu.memory_space<vmem_shared>> -> memref<4096x32xf32, #tpu.memory_space<vmem_shared>>
      %dma_wait3A_1069 = tpu.memref_slice %arg13[%dma_wait3A_1061] : memref<10x!tpu.dma_semaphore, #tpu.memory_space<semaphore_mem>> -> memref<1x!tpu.dma_semaphore, #tpu.memory_space<semaphore_mem>>
      %dma_wait3A_1070 = tpu.memref_squeeze %dma_wait3A_1069 : memref<1x!tpu.dma_semaphore, #tpu.memory_space<semaphore_mem>> -> memref<!tpu.dma_semaphore, #tpu.memory_space<semaphore_mem>>
      tpu.wait_indirect_dma semaphore(%dma_wait3A_1070 : memref<!tpu.dma_semaphore, #tpu.memory_space<semaphore_mem>>) src(%dma_wait3A_1065 : memref<128x32xf32, #tpu.memory_space<vmem>>) dst(%dma_wait3A_1068 : memref<4096x32xf32, #tpu.memory_space<vmem_shared>>)
      %add3A_1071 = arith.constant 10 : i32
      %add3A_1072 = arith.addi %mul3A_528, %add3A_1071 : i32
      %add3A_1073 = arith.constant 9 : i32
      %add3A_1074 = arith.addi %add3A_1072, %add3A_1073 : i32
      %dma_start3A_1075 = arith.constant 9 : i32
      %dma_start3A_1076 = arith.constant 9 : i32
      %dma_start3A_1077 = arith.constant 0 : i32
      %dma_start3A_1078 = arith.constant 0 : i32
      %dma_start3A_1079 = tpu.memref_slice %arg9[%dma_start3A_1075, %dma_start3A_1077, %dma_start3A_1078] : memref<10x128x32xf32, #tpu.memory_space<vmem>> -> memref<1x128x32xf32, #tpu.memory_space<vmem>>
      %dma_start3A_1080 = tpu.memref_squeeze %dma_start3A_1079 : memref<1x128x32xf32, #tpu.memory_space<vmem>> -> memref<128x32xf32, #tpu.memory_space<vmem>>
      %dma_start3A_1081 = arith.constant 0 : i32
      %dma_start3A_1082 = tpu.memref_slice %arg7[%add3A_1074, %dma_start3A_1081] : memref<200x128xi32, #tpu.memory_space<vmem>> -> memref<1x128xi32, #tpu.memory_space<vmem>>
      %dma_start3A_1083 = tpu.memref_squeeze %dma_start3A_1082 : memref<1x128xi32, #tpu.memory_space<vmem>> -> memref<128xi32, #tpu.memory_space<vmem>>
      %dma_start3A_1084 = arith.constant 0 : i32
      %dma_start3A_1085 = arith.constant 0 : i32
      %dma_start3A_1086 = tpu.memref_slice %arg2[%dma_start3A_1084, %dma_start3A_1085] : memref<106496x32xf32, #tpu.memory_space<hbm>> -> memref<106496x32xf32, #tpu.memory_space<hbm>>
      %dma_start3A_1087 = tpu.memref_slice %arg12[%dma_start3A_1076] : memref<10x!tpu.dma_semaphore, #tpu.memory_space<semaphore_mem>> -> memref<1x!tpu.dma_semaphore, #tpu.memory_space<semaphore_mem>>
      %dma_start3A_1088 = tpu.memref_squeeze %dma_start3A_1087 : memref<1x!tpu.dma_semaphore, #tpu.memory_space<semaphore_mem>> -> memref<!tpu.dma_semaphore, #tpu.memory_space<semaphore_mem>>
      tpu.enqueue_indirect_dma source(%dma_start3A_1086 : memref<106496x32xf32, #tpu.memory_space<hbm>>) target(%dma_start3A_1080 : memref<128x32xf32, #tpu.memory_space<vmem>>) offsets(%dma_start3A_1083 : memref<128xi32, #tpu.memory_space<vmem>>) semaphore(%dma_start3A_1088 : memref<!tpu.dma_semaphore, #tpu.memory_space<semaphore_mem>>)
    }
    %scan3A_156 = arith.constant 19 : i32
    %dma_wait3A = arith.constant 190 : i32
    %dma_wait3A_157 = arith.constant 0 : i32
    %dma_wait3A_158 = arith.constant 0 : i32
    %dma_wait3A_159 = arith.constant 0 : i32
    %dma_wait3A_160 = arith.constant 0 : i32
    %dma_wait3A_161 = tpu.memref_slice %arg9[%dma_wait3A_157, %dma_wait3A_159, %dma_wait3A_160] : memref<10x128x32xf32, #tpu.memory_space<vmem>> -> memref<1x128x32xf32, #tpu.memory_space<vmem>>
    %dma_wait3A_162 = tpu.memref_squeeze %dma_wait3A_161 : memref<1x128x32xf32, #tpu.memory_space<vmem>> -> memref<128x32xf32, #tpu.memory_space<vmem>>
    %dma_wait3A_163 = arith.constant 0 : i32
    %dma_wait3A_164 = tpu.memref_slice %arg7[%dma_wait3A, %dma_wait3A_163] : memref<200x128xi32, #tpu.memory_space<vmem>> -> memref<1x128xi32, #tpu.memory_space<vmem>>
    %dma_wait3A_165 = tpu.memref_squeeze %dma_wait3A_164 : memref<1x128xi32, #tpu.memory_space<vmem>> -> memref<128xi32, #tpu.memory_space<vmem>>
    %dma_wait3A_166 = arith.constant 0 : i32
    %dma_wait3A_167 = arith.constant 0 : i32
    %dma_wait3A_168 = tpu.memref_slice %arg2[%dma_wait3A_166, %dma_wait3A_167] : memref<106496x32xf32, #tpu.memory_space<hbm>> -> memref<106496x32xf32, #tpu.memory_space<hbm>>
    %dma_wait3A_169 = tpu.memref_slice %arg12[%dma_wait3A_158] : memref<10x!tpu.dma_semaphore, #tpu.memory_space<semaphore_mem>> -> memref<1x!tpu.dma_semaphore, #tpu.memory_space<semaphore_mem>>
    %dma_wait3A_170 = tpu.memref_squeeze %dma_wait3A_169 : memref<1x!tpu.dma_semaphore, #tpu.memory_space<semaphore_mem>> -> memref<!tpu.dma_semaphore, #tpu.memory_space<semaphore_mem>>
    tpu.wait_indirect_dma semaphore(%dma_wait3A_170 : memref<!tpu.dma_semaphore, #tpu.memory_space<semaphore_mem>>) src(%dma_wait3A_168 : memref<106496x32xf32, #tpu.memory_space<hbm>>) dst(%dma_wait3A_162 : memref<128x32xf32, #tpu.memory_space<vmem>>)
    %dma_start3A_171 = arith.constant 0 : i32
    %dma_start3A_172 = arith.constant 0 : i32
    %dma_start3A_173 = arith.constant 0 : i32
    %dma_start3A_174 = arith.constant 0 : i32
    %dma_start3A_175 = tpu.memref_slice %arg9[%dma_start3A_171, %dma_start3A_173, %dma_start3A_174] : memref<10x128x32xf32, #tpu.memory_space<vmem>> -> memref<1x128x32xf32, #tpu.memory_space<vmem>>
    %dma_start3A_176 = tpu.memref_squeeze %dma_start3A_175 : memref<1x128x32xf32, #tpu.memory_space<vmem>> -> memref<128x32xf32, #tpu.memory_space<vmem>>
    %dma_start3A_177 = arith.constant 0 : i32
    %dma_start3A_178 = arith.constant 0 : i32
    %dma_start3A_179 = tpu.memref_slice %arg11[%dma_start3A_177, %dma_start3A_178] : memref<4096x32xf32, #tpu.memory_space<vmem_shared>> -> memref<4096x32xf32, #tpu.memory_space<vmem_shared>>
    %dma_start3A_180 = tpu.memref_slice %arg13[%dma_start3A_172] : memref<10x!tpu.dma_semaphore, #tpu.memory_space<semaphore_mem>> -> memref<1x!tpu.dma_semaphore, #tpu.memory_space<semaphore_mem>>
    %dma_start3A_181 = tpu.memref_squeeze %dma_start3A_180 : memref<1x!tpu.dma_semaphore, #tpu.memory_space<semaphore_mem>> -> memref<!tpu.dma_semaphore, #tpu.memory_space<semaphore_mem>>
    tpu.enqueue_indirect_dma source(%dma_start3A_176 : memref<128x32xf32, #tpu.memory_space<vmem>>) target(%dma_start3A_179 : memref<4096x32xf32, #tpu.memory_space<vmem_shared>>) offsets(%arg8 : memref<128xi32, #tpu.memory_space<vmem>>) semaphore(%dma_start3A_181 : memref<!tpu.dma_semaphore, #tpu.memory_space<semaphore_mem>>) {add = true}
    %dma_wait3A_182 = arith.constant 191 : i32
    %dma_wait3A_183 = arith.constant 1 : i32
    %dma_wait3A_184 = arith.constant 1 : i32
    %dma_wait3A_185 = arith.constant 0 : i32
    %dma_wait3A_186 = arith.constant 0 : i32
    %dma_wait3A_187 = tpu.memref_slice %arg9[%dma_wait3A_183, %dma_wait3A_185, %dma_wait3A_186] : memref<10x128x32xf32, #tpu.memory_space<vmem>> -> memref<1x128x32xf32, #tpu.memory_space<vmem>>
    %dma_wait3A_188 = tpu.memref_squeeze %dma_wait3A_187 : memref<1x128x32xf32, #tpu.memory_space<vmem>> -> memref<128x32xf32, #tpu.memory_space<vmem>>
    %dma_wait3A_189 = arith.constant 0 : i32
    %dma_wait3A_190 = tpu.memref_slice %arg7[%dma_wait3A_182, %dma_wait3A_189] : memref<200x128xi32, #tpu.memory_space<vmem>> -> memref<1x128xi32, #tpu.memory_space<vmem>>
    %dma_wait3A_191 = tpu.memref_squeeze %dma_wait3A_190 : memref<1x128xi32, #tpu.memory_space<vmem>> -> memref<128xi32, #tpu.memory_space<vmem>>
    %dma_wait3A_192 = arith.constant 0 : i32
    %dma_wait3A_193 = arith.constant 0 : i32
    %dma_wait3A_194 = tpu.memref_slice %arg2[%dma_wait3A_192, %dma_wait3A_193] : memref<106496x32xf32, #tpu.memory_space<hbm>> -> memref<106496x32xf32, #tpu.memory_space<hbm>>
    %dma_wait3A_195 = tpu.memref_slice %arg12[%dma_wait3A_184] : memref<10x!tpu.dma_semaphore, #tpu.memory_space<semaphore_mem>> -> memref<1x!tpu.dma_semaphore, #tpu.memory_space<semaphore_mem>>
    %dma_wait3A_196 = tpu.memref_squeeze %dma_wait3A_195 : memref<1x!tpu.dma_semaphore, #tpu.memory_space<semaphore_mem>> -> memref<!tpu.dma_semaphore, #tpu.memory_space<semaphore_mem>>
    tpu.wait_indirect_dma semaphore(%dma_wait3A_196 : memref<!tpu.dma_semaphore, #tpu.memory_space<semaphore_mem>>) src(%dma_wait3A_194 : memref<106496x32xf32, #tpu.memory_space<hbm>>) dst(%dma_wait3A_188 : memref<128x32xf32, #tpu.memory_space<vmem>>)
    %dma_start3A_197 = arith.constant 1 : i32
    %dma_start3A_198 = arith.constant 1 : i32
    %dma_start3A_199 = arith.constant 0 : i32
    %dma_start3A_200 = arith.constant 0 : i32
    %dma_start3A_201 = tpu.memref_slice %arg9[%dma_start3A_197, %dma_start3A_199, %dma_start3A_200] : memref<10x128x32xf32, #tpu.memory_space<vmem>> -> memref<1x128x32xf32, #tpu.memory_space<vmem>>
    %dma_start3A_202 = tpu.memref_squeeze %dma_start3A_201 : memref<1x128x32xf32, #tpu.memory_space<vmem>> -> memref<128x32xf32, #tpu.memory_space<vmem>>
    %dma_start3A_203 = arith.constant 0 : i32
    %dma_start3A_204 = arith.constant 0 : i32
    %dma_start3A_205 = tpu.memref_slice %arg11[%dma_start3A_203, %dma_start3A_204] : memref<4096x32xf32, #tpu.memory_space<vmem_shared>> -> memref<4096x32xf32, #tpu.memory_space<vmem_shared>>
    %dma_start3A_206 = tpu.memref_slice %arg13[%dma_start3A_198] : memref<10x!tpu.dma_semaphore, #tpu.memory_space<semaphore_mem>> -> memref<1x!tpu.dma_semaphore, #tpu.memory_space<semaphore_mem>>
    %dma_start3A_207 = tpu.memref_squeeze %dma_start3A_206 : memref<1x!tpu.dma_semaphore, #tpu.memory_space<semaphore_mem>> -> memref<!tpu.dma_semaphore, #tpu.memory_space<semaphore_mem>>
    tpu.enqueue_indirect_dma source(%dma_start3A_202 : memref<128x32xf32, #tpu.memory_space<vmem>>) target(%dma_start3A_205 : memref<4096x32xf32, #tpu.memory_space<vmem_shared>>) offsets(%arg8 : memref<128xi32, #tpu.memory_space<vmem>>) semaphore(%dma_start3A_207 : memref<!tpu.dma_semaphore, #tpu.memory_space<semaphore_mem>>) {add = true}
    %dma_wait3A_208 = arith.constant 192 : i32
    %dma_wait3A_209 = arith.constant 2 : i32
    %dma_wait3A_210 = arith.constant 2 : i32
    %dma_wait3A_211 = arith.constant 0 : i32
    %dma_wait3A_212 = arith.constant 0 : i32
    %dma_wait3A_213 = tpu.memref_slice %arg9[%dma_wait3A_209, %dma_wait3A_211, %dma_wait3A_212] : memref<10x128x32xf32, #tpu.memory_space<vmem>> -> memref<1x128x32xf32, #tpu.memory_space<vmem>>
    %dma_wait3A_214 = tpu.memref_squeeze %dma_wait3A_213 : memref<1x128x32xf32, #tpu.memory_space<vmem>> -> memref<128x32xf32, #tpu.memory_space<vmem>>
    %dma_wait3A_215 = arith.constant 0 : i32
    %dma_wait3A_216 = tpu.memref_slice %arg7[%dma_wait3A_208, %dma_wait3A_215] : memref<200x128xi32, #tpu.memory_space<vmem>> -> memref<1x128xi32, #tpu.memory_space<vmem>>
    %dma_wait3A_217 = tpu.memref_squeeze %dma_wait3A_216 : memref<1x128xi32, #tpu.memory_space<vmem>> -> memref<128xi32, #tpu.memory_space<vmem>>
    %dma_wait3A_218 = arith.constant 0 : i32
    %dma_wait3A_219 = arith.constant 0 : i32
    %dma_wait3A_220 = tpu.memref_slice %arg2[%dma_wait3A_218, %dma_wait3A_219] : memref<106496x32xf32, #tpu.memory_space<hbm>> -> memref<106496x32xf32, #tpu.memory_space<hbm>>
    %dma_wait3A_221 = tpu.memref_slice %arg12[%dma_wait3A_210] : memref<10x!tpu.dma_semaphore, #tpu.memory_space<semaphore_mem>> -> memref<1x!tpu.dma_semaphore, #tpu.memory_space<semaphore_mem>>
    %dma_wait3A_222 = tpu.memref_squeeze %dma_wait3A_221 : memref<1x!tpu.dma_semaphore, #tpu.memory_space<semaphore_mem>> -> memref<!tpu.dma_semaphore, #tpu.memory_space<semaphore_mem>>
    tpu.wait_indirect_dma semaphore(%dma_wait3A_222 : memref<!tpu.dma_semaphore, #tpu.memory_space<semaphore_mem>>) src(%dma_wait3A_220 : memref<106496x32xf32, #tpu.memory_space<hbm>>) dst(%dma_wait3A_214 : memref<128x32xf32, #tpu.memory_space<vmem>>)
    %dma_start3A_223 = arith.constant 2 : i32
    %dma_start3A_224 = arith.constant 2 : i32
    %dma_start3A_225 = arith.constant 0 : i32
    %dma_start3A_226 = arith.constant 0 : i32
    %dma_start3A_227 = tpu.memref_slice %arg9[%dma_start3A_223, %dma_start3A_225, %dma_start3A_226] : memref<10x128x32xf32, #tpu.memory_space<vmem>> -> memref<1x128x32xf32, #tpu.memory_space<vmem>>
    %dma_start3A_228 = tpu.memref_squeeze %dma_start3A_227 : memref<1x128x32xf32, #tpu.memory_space<vmem>> -> memref<128x32xf32, #tpu.memory_space<vmem>>
    %dma_start3A_229 = arith.constant 0 : i32
    %dma_start3A_230 = arith.constant 0 : i32
    %dma_start3A_231 = tpu.memref_slice %arg11[%dma_start3A_229, %dma_start3A_230] : memref<4096x32xf32, #tpu.memory_space<vmem_shared>> -> memref<4096x32xf32, #tpu.memory_space<vmem_shared>>
    %dma_start3A_232 = tpu.memref_slice %arg13[%dma_start3A_224] : memref<10x!tpu.dma_semaphore, #tpu.memory_space<semaphore_mem>> -> memref<1x!tpu.dma_semaphore, #tpu.memory_space<semaphore_mem>>
    %dma_start3A_233 = tpu.memref_squeeze %dma_start3A_232 : memref<1x!tpu.dma_semaphore, #tpu.memory_space<semaphore_mem>> -> memref<!tpu.dma_semaphore, #tpu.memory_space<semaphore_mem>>
    tpu.enqueue_indirect_dma source(%dma_start3A_228 : memref<128x32xf32, #tpu.memory_space<vmem>>) target(%dma_start3A_231 : memref<4096x32xf32, #tpu.memory_space<vmem_shared>>) offsets(%arg8 : memref<128xi32, #tpu.memory_space<vmem>>) semaphore(%dma_start3A_233 : memref<!tpu.dma_semaphore, #tpu.memory_space<semaphore_mem>>) {add = true}
    %dma_wait3A_234 = arith.constant 193 : i32
    %dma_wait3A_235 = arith.constant 3 : i32
    %dma_wait3A_236 = arith.constant 3 : i32
    %dma_wait3A_237 = arith.constant 0 : i32
    %dma_wait3A_238 = arith.constant 0 : i32
    %dma_wait3A_239 = tpu.memref_slice %arg9[%dma_wait3A_235, %dma_wait3A_237, %dma_wait3A_238] : memref<10x128x32xf32, #tpu.memory_space<vmem>> -> memref<1x128x32xf32, #tpu.memory_space<vmem>>
    %dma_wait3A_240 = tpu.memref_squeeze %dma_wait3A_239 : memref<1x128x32xf32, #tpu.memory_space<vmem>> -> memref<128x32xf32, #tpu.memory_space<vmem>>
    %dma_wait3A_241 = arith.constant 0 : i32
    %dma_wait3A_242 = tpu.memref_slice %arg7[%dma_wait3A_234, %dma_wait3A_241] : memref<200x128xi32, #tpu.memory_space<vmem>> -> memref<1x128xi32, #tpu.memory_space<vmem>>
    %dma_wait3A_243 = tpu.memref_squeeze %dma_wait3A_242 : memref<1x128xi32, #tpu.memory_space<vmem>> -> memref<128xi32, #tpu.memory_space<vmem>>
    %dma_wait3A_244 = arith.constant 0 : i32
    %dma_wait3A_245 = arith.constant 0 : i32
    %dma_wait3A_246 = tpu.memref_slice %arg2[%dma_wait3A_244, %dma_wait3A_245] : memref<106496x32xf32, #tpu.memory_space<hbm>> -> memref<106496x32xf32, #tpu.memory_space<hbm>>
    %dma_wait3A_247 = tpu.memref_slice %arg12[%dma_wait3A_236] : memref<10x!tpu.dma_semaphore, #tpu.memory_space<semaphore_mem>> -> memref<1x!tpu.dma_semaphore, #tpu.memory_space<semaphore_mem>>
    %dma_wait3A_248 = tpu.memref_squeeze %dma_wait3A_247 : memref<1x!tpu.dma_semaphore, #tpu.memory_space<semaphore_mem>> -> memref<!tpu.dma_semaphore, #tpu.memory_space<semaphore_mem>>
    tpu.wait_indirect_dma semaphore(%dma_wait3A_248 : memref<!tpu.dma_semaphore, #tpu.memory_space<semaphore_mem>>) src(%dma_wait3A_246 : memref<106496x32xf32, #tpu.memory_space<hbm>>) dst(%dma_wait3A_240 : memref<128x32xf32, #tpu.memory_space<vmem>>)
    %dma_start3A_249 = arith.constant 3 : i32
    %dma_start3A_250 = arith.constant 3 : i32
    %dma_start3A_251 = arith.constant 0 : i32
    %dma_start3A_252 = arith.constant 0 : i32
    %dma_start3A_253 = tpu.memref_slice %arg9[%dma_start3A_249, %dma_start3A_251, %dma_start3A_252] : memref<10x128x32xf32, #tpu.memory_space<vmem>> -> memref<1x128x32xf32, #tpu.memory_space<vmem>>
    %dma_start3A_254 = tpu.memref_squeeze %dma_start3A_253 : memref<1x128x32xf32, #tpu.memory_space<vmem>> -> memref<128x32xf32, #tpu.memory_space<vmem>>
    %dma_start3A_255 = arith.constant 0 : i32
    %dma_start3A_256 = arith.constant 0 : i32
    %dma_start3A_257 = tpu.memref_slice %arg11[%dma_start3A_255, %dma_start3A_256] : memref<4096x32xf32, #tpu.memory_space<vmem_shared>> -> memref<4096x32xf32, #tpu.memory_space<vmem_shared>>
    %dma_start3A_258 = tpu.memref_slice %arg13[%dma_start3A_250] : memref<10x!tpu.dma_semaphore, #tpu.memory_space<semaphore_mem>> -> memref<1x!tpu.dma_semaphore, #tpu.memory_space<semaphore_mem>>
    %dma_start3A_259 = tpu.memref_squeeze %dma_start3A_258 : memref<1x!tpu.dma_semaphore, #tpu.memory_space<semaphore_mem>> -> memref<!tpu.dma_semaphore, #tpu.memory_space<semaphore_mem>>
    tpu.enqueue_indirect_dma source(%dma_start3A_254 : memref<128x32xf32, #tpu.memory_space<vmem>>) target(%dma_start3A_257 : memref<4096x32xf32, #tpu.memory_space<vmem_shared>>) offsets(%arg8 : memref<128xi32, #tpu.memory_space<vmem>>) semaphore(%dma_start3A_259 : memref<!tpu.dma_semaphore, #tpu.memory_space<semaphore_mem>>) {add = true}
    %dma_wait3A_260 = arith.constant 194 : i32
    %dma_wait3A_261 = arith.constant 4 : i32
    %dma_wait3A_262 = arith.constant 4 : i32
    %dma_wait3A_263 = arith.constant 0 : i32
    %dma_wait3A_264 = arith.constant 0 : i32
    %dma_wait3A_265 = tpu.memref_slice %arg9[%dma_wait3A_261, %dma_wait3A_263, %dma_wait3A_264] : memref<10x128x32xf32, #tpu.memory_space<vmem>> -> memref<1x128x32xf32, #tpu.memory_space<vmem>>
    %dma_wait3A_266 = tpu.memref_squeeze %dma_wait3A_265 : memref<1x128x32xf32, #tpu.memory_space<vmem>> -> memref<128x32xf32, #tpu.memory_space<vmem>>
    %dma_wait3A_267 = arith.constant 0 : i32
    %dma_wait3A_268 = tpu.memref_slice %arg7[%dma_wait3A_260, %dma_wait3A_267] : memref<200x128xi32, #tpu.memory_space<vmem>> -> memref<1x128xi32, #tpu.memory_space<vmem>>
    %dma_wait3A_269 = tpu.memref_squeeze %dma_wait3A_268 : memref<1x128xi32, #tpu.memory_space<vmem>> -> memref<128xi32, #tpu.memory_space<vmem>>
    %dma_wait3A_270 = arith.constant 0 : i32
    %dma_wait3A_271 = arith.constant 0 : i32
    %dma_wait3A_272 = tpu.memref_slice %arg2[%dma_wait3A_270, %dma_wait3A_271] : memref<106496x32xf32, #tpu.memory_space<hbm>> -> memref<106496x32xf32, #tpu.memory_space<hbm>>
    %dma_wait3A_273 = tpu.memref_slice %arg12[%dma_wait3A_262] : memref<10x!tpu.dma_semaphore, #tpu.memory_space<semaphore_mem>> -> memref<1x!tpu.dma_semaphore, #tpu.memory_space<semaphore_mem>>
    %dma_wait3A_274 = tpu.memref_squeeze %dma_wait3A_273 : memref<1x!tpu.dma_semaphore, #tpu.memory_space<semaphore_mem>> -> memref<!tpu.dma_semaphore, #tpu.memory_space<semaphore_mem>>
    tpu.wait_indirect_dma semaphore(%dma_wait3A_274 : memref<!tpu.dma_semaphore, #tpu.memory_space<semaphore_mem>>) src(%dma_wait3A_272 : memref<106496x32xf32, #tpu.memory_space<hbm>>) dst(%dma_wait3A_266 : memref<128x32xf32, #tpu.memory_space<vmem>>)
    %dma_start3A_275 = arith.constant 4 : i32
    %dma_start3A_276 = arith.constant 4 : i32
    %dma_start3A_277 = arith.constant 0 : i32
    %dma_start3A_278 = arith.constant 0 : i32
    %dma_start3A_279 = tpu.memref_slice %arg9[%dma_start3A_275, %dma_start3A_277, %dma_start3A_278] : memref<10x128x32xf32, #tpu.memory_space<vmem>> -> memref<1x128x32xf32, #tpu.memory_space<vmem>>
    %dma_start3A_280 = tpu.memref_squeeze %dma_start3A_279 : memref<1x128x32xf32, #tpu.memory_space<vmem>> -> memref<128x32xf32, #tpu.memory_space<vmem>>
    %dma_start3A_281 = arith.constant 0 : i32
    %dma_start3A_282 = arith.constant 0 : i32
    %dma_start3A_283 = tpu.memref_slice %arg11[%dma_start3A_281, %dma_start3A_282] : memref<4096x32xf32, #tpu.memory_space<vmem_shared>> -> memref<4096x32xf32, #tpu.memory_space<vmem_shared>>
    %dma_start3A_284 = tpu.memref_slice %arg13[%dma_start3A_276] : memref<10x!tpu.dma_semaphore, #tpu.memory_space<semaphore_mem>> -> memref<1x!tpu.dma_semaphore, #tpu.memory_space<semaphore_mem>>
    %dma_start3A_285 = tpu.memref_squeeze %dma_start3A_284 : memref<1x!tpu.dma_semaphore, #tpu.memory_space<semaphore_mem>> -> memref<!tpu.dma_semaphore, #tpu.memory_space<semaphore_mem>>
    tpu.enqueue_indirect_dma source(%dma_start3A_280 : memref<128x32xf32, #tpu.memory_space<vmem>>) target(%dma_start3A_283 : memref<4096x32xf32, #tpu.memory_space<vmem_shared>>) offsets(%arg8 : memref<128xi32, #tpu.memory_space<vmem>>) semaphore(%dma_start3A_285 : memref<!tpu.dma_semaphore, #tpu.memory_space<semaphore_mem>>) {add = true}
    %dma_wait3A_286 = arith.constant 195 : i32
    %dma_wait3A_287 = arith.constant 5 : i32
    %dma_wait3A_288 = arith.constant 5 : i32
    %dma_wait3A_289 = arith.constant 0 : i32
    %dma_wait3A_290 = arith.constant 0 : i32
    %dma_wait3A_291 = tpu.memref_slice %arg9[%dma_wait3A_287, %dma_wait3A_289, %dma_wait3A_290] : memref<10x128x32xf32, #tpu.memory_space<vmem>> -> memref<1x128x32xf32, #tpu.memory_space<vmem>>
    %dma_wait3A_292 = tpu.memref_squeeze %dma_wait3A_291 : memref<1x128x32xf32, #tpu.memory_space<vmem>> -> memref<128x32xf32, #tpu.memory_space<vmem>>
    %dma_wait3A_293 = arith.constant 0 : i32
    %dma_wait3A_294 = tpu.memref_slice %arg7[%dma_wait3A_286, %dma_wait3A_293] : memref<200x128xi32, #tpu.memory_space<vmem>> -> memref<1x128xi32, #tpu.memory_space<vmem>>
    %dma_wait3A_295 = tpu.memref_squeeze %dma_wait3A_294 : memref<1x128xi32, #tpu.memory_space<vmem>> -> memref<128xi32, #tpu.memory_space<vmem>>
    %dma_wait3A_296 = arith.constant 0 : i32
    %dma_wait3A_297 = arith.constant 0 : i32
    %dma_wait3A_298 = tpu.memref_slice %arg2[%dma_wait3A_296, %dma_wait3A_297] : memref<106496x32xf32, #tpu.memory_space<hbm>> -> memref<106496x32xf32, #tpu.memory_space<hbm>>
    %dma_wait3A_299 = tpu.memref_slice %arg12[%dma_wait3A_288] : memref<10x!tpu.dma_semaphore, #tpu.memory_space<semaphore_mem>> -> memref<1x!tpu.dma_semaphore, #tpu.memory_space<semaphore_mem>>
    %dma_wait3A_300 = tpu.memref_squeeze %dma_wait3A_299 : memref<1x!tpu.dma_semaphore, #tpu.memory_space<semaphore_mem>> -> memref<!tpu.dma_semaphore, #tpu.memory_space<semaphore_mem>>
    tpu.wait_indirect_dma semaphore(%dma_wait3A_300 : memref<!tpu.dma_semaphore, #tpu.memory_space<semaphore_mem>>) src(%dma_wait3A_298 : memref<106496x32xf32, #tpu.memory_space<hbm>>) dst(%dma_wait3A_292 : memref<128x32xf32, #tpu.memory_space<vmem>>)
    %dma_start3A_301 = arith.constant 5 : i32
    %dma_start3A_302 = arith.constant 5 : i32
    %dma_start3A_303 = arith.constant 0 : i32
    %dma_start3A_304 = arith.constant 0 : i32
    %dma_start3A_305 = tpu.memref_slice %arg9[%dma_start3A_301, %dma_start3A_303, %dma_start3A_304] : memref<10x128x32xf32, #tpu.memory_space<vmem>> -> memref<1x128x32xf32, #tpu.memory_space<vmem>>
    %dma_start3A_306 = tpu.memref_squeeze %dma_start3A_305 : memref<1x128x32xf32, #tpu.memory_space<vmem>> -> memref<128x32xf32, #tpu.memory_space<vmem>>
    %dma_start3A_307 = arith.constant 0 : i32
    %dma_start3A_308 = arith.constant 0 : i32
    %dma_start3A_309 = tpu.memref_slice %arg11[%dma_start3A_307, %dma_start3A_308] : memref<4096x32xf32, #tpu.memory_space<vmem_shared>> -> memref<4096x32xf32, #tpu.memory_space<vmem_shared>>
    %dma_start3A_310 = tpu.memref_slice %arg13[%dma_start3A_302] : memref<10x!tpu.dma_semaphore, #tpu.memory_space<semaphore_mem>> -> memref<1x!tpu.dma_semaphore, #tpu.memory_space<semaphore_mem>>
    %dma_start3A_311 = tpu.memref_squeeze %dma_start3A_310 : memref<1x!tpu.dma_semaphore, #tpu.memory_space<semaphore_mem>> -> memref<!tpu.dma_semaphore, #tpu.memory_space<semaphore_mem>>
    tpu.enqueue_indirect_dma source(%dma_start3A_306 : memref<128x32xf32, #tpu.memory_space<vmem>>) target(%dma_start3A_309 : memref<4096x32xf32, #tpu.memory_space<vmem_shared>>) offsets(%arg8 : memref<128xi32, #tpu.memory_space<vmem>>) semaphore(%dma_start3A_311 : memref<!tpu.dma_semaphore, #tpu.memory_space<semaphore_mem>>) {add = true}
    %dma_wait3A_312 = arith.constant 196 : i32
    %dma_wait3A_313 = arith.constant 6 : i32
    %dma_wait3A_314 = arith.constant 6 : i32
    %dma_wait3A_315 = arith.constant 0 : i32
    %dma_wait3A_316 = arith.constant 0 : i32
    %dma_wait3A_317 = tpu.memref_slice %arg9[%dma_wait3A_313, %dma_wait3A_315, %dma_wait3A_316] : memref<10x128x32xf32, #tpu.memory_space<vmem>> -> memref<1x128x32xf32, #tpu.memory_space<vmem>>
    %dma_wait3A_318 = tpu.memref_squeeze %dma_wait3A_317 : memref<1x128x32xf32, #tpu.memory_space<vmem>> -> memref<128x32xf32, #tpu.memory_space<vmem>>
    %dma_wait3A_319 = arith.constant 0 : i32
    %dma_wait3A_320 = tpu.memref_slice %arg7[%dma_wait3A_312, %dma_wait3A_319] : memref<200x128xi32, #tpu.memory_space<vmem>> -> memref<1x128xi32, #tpu.memory_space<vmem>>
    %dma_wait3A_321 = tpu.memref_squeeze %dma_wait3A_320 : memref<1x128xi32, #tpu.memory_space<vmem>> -> memref<128xi32, #tpu.memory_space<vmem>>
    %dma_wait3A_322 = arith.constant 0 : i32
    %dma_wait3A_323 = arith.constant 0 : i32
    %dma_wait3A_324 = tpu.memref_slice %arg2[%dma_wait3A_322, %dma_wait3A_323] : memref<106496x32xf32, #tpu.memory_space<hbm>> -> memref<106496x32xf32, #tpu.memory_space<hbm>>
    %dma_wait3A_325 = tpu.memref_slice %arg12[%dma_wait3A_314] : memref<10x!tpu.dma_semaphore, #tpu.memory_space<semaphore_mem>> -> memref<1x!tpu.dma_semaphore, #tpu.memory_space<semaphore_mem>>
    %dma_wait3A_326 = tpu.memref_squeeze %dma_wait3A_325 : memref<1x!tpu.dma_semaphore, #tpu.memory_space<semaphore_mem>> -> memref<!tpu.dma_semaphore, #tpu.memory_space<semaphore_mem>>
    tpu.wait_indirect_dma semaphore(%dma_wait3A_326 : memref<!tpu.dma_semaphore, #tpu.memory_space<semaphore_mem>>) src(%dma_wait3A_324 : memref<106496x32xf32, #tpu.memory_space<hbm>>) dst(%dma_wait3A_318 : memref<128x32xf32, #tpu.memory_space<vmem>>)
    %dma_start3A_327 = arith.constant 6 : i32
    %dma_start3A_328 = arith.constant 6 : i32
    %dma_start3A_329 = arith.constant 0 : i32
    %dma_start3A_330 = arith.constant 0 : i32
    %dma_start3A_331 = tpu.memref_slice %arg9[%dma_start3A_327, %dma_start3A_329, %dma_start3A_330] : memref<10x128x32xf32, #tpu.memory_space<vmem>> -> memref<1x128x32xf32, #tpu.memory_space<vmem>>
    %dma_start3A_332 = tpu.memref_squeeze %dma_start3A_331 : memref<1x128x32xf32, #tpu.memory_space<vmem>> -> memref<128x32xf32, #tpu.memory_space<vmem>>
    %dma_start3A_333 = arith.constant 0 : i32
    %dma_start3A_334 = arith.constant 0 : i32
    %dma_start3A_335 = tpu.memref_slice %arg11[%dma_start3A_333, %dma_start3A_334] : memref<4096x32xf32, #tpu.memory_space<vmem_shared>> -> memref<4096x32xf32, #tpu.memory_space<vmem_shared>>
    %dma_start3A_336 = tpu.memref_slice %arg13[%dma_start3A_328] : memref<10x!tpu.dma_semaphore, #tpu.memory_space<semaphore_mem>> -> memref<1x!tpu.dma_semaphore, #tpu.memory_space<semaphore_mem>>
    %dma_start3A_337 = tpu.memref_squeeze %dma_start3A_336 : memref<1x!tpu.dma_semaphore, #tpu.memory_space<semaphore_mem>> -> memref<!tpu.dma_semaphore, #tpu.memory_space<semaphore_mem>>
    tpu.enqueue_indirect_dma source(%dma_start3A_332 : memref<128x32xf32, #tpu.memory_space<vmem>>) target(%dma_start3A_335 : memref<4096x32xf32, #tpu.memory_space<vmem_shared>>) offsets(%arg8 : memref<128xi32, #tpu.memory_space<vmem>>) semaphore(%dma_start3A_337 : memref<!tpu.dma_semaphore, #tpu.memory_space<semaphore_mem>>) {add = true}
    %dma_wait3A_338 = arith.constant 197 : i32
    %dma_wait3A_339 = arith.constant 7 : i32
    %dma_wait3A_340 = arith.constant 7 : i32
    %dma_wait3A_341 = arith.constant 0 : i32
    %dma_wait3A_342 = arith.constant 0 : i32
    %dma_wait3A_343 = tpu.memref_slice %arg9[%dma_wait3A_339, %dma_wait3A_341, %dma_wait3A_342] : memref<10x128x32xf32, #tpu.memory_space<vmem>> -> memref<1x128x32xf32, #tpu.memory_space<vmem>>
    %dma_wait3A_344 = tpu.memref_squeeze %dma_wait3A_343 : memref<1x128x32xf32, #tpu.memory_space<vmem>> -> memref<128x32xf32, #tpu.memory_space<vmem>>
    %dma_wait3A_345 = arith.constant 0 : i32
    %dma_wait3A_346 = tpu.memref_slice %arg7[%dma_wait3A_338, %dma_wait3A_345] : memref<200x128xi32, #tpu.memory_space<vmem>> -> memref<1x128xi32, #tpu.memory_space<vmem>>
    %dma_wait3A_347 = tpu.memref_squeeze %dma_wait3A_346 : memref<1x128xi32, #tpu.memory_space<vmem>> -> memref<128xi32, #tpu.memory_space<vmem>>
    %dma_wait3A_348 = arith.constant 0 : i32
    %dma_wait3A_349 = arith.constant 0 : i32
    %dma_wait3A_350 = tpu.memref_slice %arg2[%dma_wait3A_348, %dma_wait3A_349] : memref<106496x32xf32, #tpu.memory_space<hbm>> -> memref<106496x32xf32, #tpu.memory_space<hbm>>
    %dma_wait3A_351 = tpu.memref_slice %arg12[%dma_wait3A_340] : memref<10x!tpu.dma_semaphore, #tpu.memory_space<semaphore_mem>> -> memref<1x!tpu.dma_semaphore, #tpu.memory_space<semaphore_mem>>
    %dma_wait3A_352 = tpu.memref_squeeze %dma_wait3A_351 : memref<1x!tpu.dma_semaphore, #tpu.memory_space<semaphore_mem>> -> memref<!tpu.dma_semaphore, #tpu.memory_space<semaphore_mem>>
    tpu.wait_indirect_dma semaphore(%dma_wait3A_352 : memref<!tpu.dma_semaphore, #tpu.memory_space<semaphore_mem>>) src(%dma_wait3A_350 : memref<106496x32xf32, #tpu.memory_space<hbm>>) dst(%dma_wait3A_344 : memref<128x32xf32, #tpu.memory_space<vmem>>)
    %dma_start3A_353 = arith.constant 7 : i32
    %dma_start3A_354 = arith.constant 7 : i32
    %dma_start3A_355 = arith.constant 0 : i32
    %dma_start3A_356 = arith.constant 0 : i32
    %dma_start3A_357 = tpu.memref_slice %arg9[%dma_start3A_353, %dma_start3A_355, %dma_start3A_356] : memref<10x128x32xf32, #tpu.memory_space<vmem>> -> memref<1x128x32xf32, #tpu.memory_space<vmem>>
    %dma_start3A_358 = tpu.memref_squeeze %dma_start3A_357 : memref<1x128x32xf32, #tpu.memory_space<vmem>> -> memref<128x32xf32, #tpu.memory_space<vmem>>
    %dma_start3A_359 = arith.constant 0 : i32
    %dma_start3A_360 = arith.constant 0 : i32
    %dma_start3A_361 = tpu.memref_slice %arg11[%dma_start3A_359, %dma_start3A_360] : memref<4096x32xf32, #tpu.memory_space<vmem_shared>> -> memref<4096x32xf32, #tpu.memory_space<vmem_shared>>
    %dma_start3A_362 = tpu.memref_slice %arg13[%dma_start3A_354] : memref<10x!tpu.dma_semaphore, #tpu.memory_space<semaphore_mem>> -> memref<1x!tpu.dma_semaphore, #tpu.memory_space<semaphore_mem>>
    %dma_start3A_363 = tpu.memref_squeeze %dma_start3A_362 : memref<1x!tpu.dma_semaphore, #tpu.memory_space<semaphore_mem>> -> memref<!tpu.dma_semaphore, #tpu.memory_space<semaphore_mem>>
    tpu.enqueue_indirect_dma source(%dma_start3A_358 : memref<128x32xf32, #tpu.memory_space<vmem>>) target(%dma_start3A_361 : memref<4096x32xf32, #tpu.memory_space<vmem_shared>>) offsets(%arg8 : memref<128xi32, #tpu.memory_space<vmem>>) semaphore(%dma_start3A_363 : memref<!tpu.dma_semaphore, #tpu.memory_space<semaphore_mem>>) {add = true}
    %dma_wait3A_364 = arith.constant 198 : i32
    %dma_wait3A_365 = arith.constant 8 : i32
    %dma_wait3A_366 = arith.constant 8 : i32
    %dma_wait3A_367 = arith.constant 0 : i32
    %dma_wait3A_368 = arith.constant 0 : i32
    %dma_wait3A_369 = tpu.memref_slice %arg9[%dma_wait3A_365, %dma_wait3A_367, %dma_wait3A_368] : memref<10x128x32xf32, #tpu.memory_space<vmem>> -> memref<1x128x32xf32, #tpu.memory_space<vmem>>
    %dma_wait3A_370 = tpu.memref_squeeze %dma_wait3A_369 : memref<1x128x32xf32, #tpu.memory_space<vmem>> -> memref<128x32xf32, #tpu.memory_space<vmem>>
    %dma_wait3A_371 = arith.constant 0 : i32
    %dma_wait3A_372 = tpu.memref_slice %arg7[%dma_wait3A_364, %dma_wait3A_371] : memref<200x128xi32, #tpu.memory_space<vmem>> -> memref<1x128xi32, #tpu.memory_space<vmem>>
    %dma_wait3A_373 = tpu.memref_squeeze %dma_wait3A_372 : memref<1x128xi32, #tpu.memory_space<vmem>> -> memref<128xi32, #tpu.memory_space<vmem>>
    %dma_wait3A_374 = arith.constant 0 : i32
    %dma_wait3A_375 = arith.constant 0 : i32
    %dma_wait3A_376 = tpu.memref_slice %arg2[%dma_wait3A_374, %dma_wait3A_375] : memref<106496x32xf32, #tpu.memory_space<hbm>> -> memref<106496x32xf32, #tpu.memory_space<hbm>>
    %dma_wait3A_377 = tpu.memref_slice %arg12[%dma_wait3A_366] : memref<10x!tpu.dma_semaphore, #tpu.memory_space<semaphore_mem>> -> memref<1x!tpu.dma_semaphore, #tpu.memory_space<semaphore_mem>>
    %dma_wait3A_378 = tpu.memref_squeeze %dma_wait3A_377 : memref<1x!tpu.dma_semaphore, #tpu.memory_space<semaphore_mem>> -> memref<!tpu.dma_semaphore, #tpu.memory_space<semaphore_mem>>
    tpu.wait_indirect_dma semaphore(%dma_wait3A_378 : memref<!tpu.dma_semaphore, #tpu.memory_space<semaphore_mem>>) src(%dma_wait3A_376 : memref<106496x32xf32, #tpu.memory_space<hbm>>) dst(%dma_wait3A_370 : memref<128x32xf32, #tpu.memory_space<vmem>>)
    %dma_start3A_379 = arith.constant 8 : i32
    %dma_start3A_380 = arith.constant 8 : i32
    %dma_start3A_381 = arith.constant 0 : i32
    %dma_start3A_382 = arith.constant 0 : i32
    %dma_start3A_383 = tpu.memref_slice %arg9[%dma_start3A_379, %dma_start3A_381, %dma_start3A_382] : memref<10x128x32xf32, #tpu.memory_space<vmem>> -> memref<1x128x32xf32, #tpu.memory_space<vmem>>
    %dma_start3A_384 = tpu.memref_squeeze %dma_start3A_383 : memref<1x128x32xf32, #tpu.memory_space<vmem>> -> memref<128x32xf32, #tpu.memory_space<vmem>>
    %dma_start3A_385 = arith.constant 0 : i32
    %dma_start3A_386 = arith.constant 0 : i32
    %dma_start3A_387 = tpu.memref_slice %arg11[%dma_start3A_385, %dma_start3A_386] : memref<4096x32xf32, #tpu.memory_space<vmem_shared>> -> memref<4096x32xf32, #tpu.memory_space<vmem_shared>>
    %dma_start3A_388 = tpu.memref_slice %arg13[%dma_start3A_380] : memref<10x!tpu.dma_semaphore, #tpu.memory_space<semaphore_mem>> -> memref<1x!tpu.dma_semaphore, #tpu.memory_space<semaphore_mem>>
    %dma_start3A_389 = tpu.memref_squeeze %dma_start3A_388 : memref<1x!tpu.dma_semaphore, #tpu.memory_space<semaphore_mem>> -> memref<!tpu.dma_semaphore, #tpu.memory_space<semaphore_mem>>
    tpu.enqueue_indirect_dma source(%dma_start3A_384 : memref<128x32xf32, #tpu.memory_space<vmem>>) target(%dma_start3A_387 : memref<4096x32xf32, #tpu.memory_space<vmem_shared>>) offsets(%arg8 : memref<128xi32, #tpu.memory_space<vmem>>) semaphore(%dma_start3A_389 : memref<!tpu.dma_semaphore, #tpu.memory_space<semaphore_mem>>) {add = true}
    %dma_wait3A_390 = arith.constant 199 : i32
    %dma_wait3A_391 = arith.constant 9 : i32
    %dma_wait3A_392 = arith.constant 9 : i32
    %dma_wait3A_393 = arith.constant 0 : i32
    %dma_wait3A_394 = arith.constant 0 : i32
    %dma_wait3A_395 = tpu.memref_slice %arg9[%dma_wait3A_391, %dma_wait3A_393, %dma_wait3A_394] : memref<10x128x32xf32, #tpu.memory_space<vmem>> -> memref<1x128x32xf32, #tpu.memory_space<vmem>>
    %dma_wait3A_396 = tpu.memref_squeeze %dma_wait3A_395 : memref<1x128x32xf32, #tpu.memory_space<vmem>> -> memref<128x32xf32, #tpu.memory_space<vmem>>
    %dma_wait3A_397 = arith.constant 0 : i32
    %dma_wait3A_398 = tpu.memref_slice %arg7[%dma_wait3A_390, %dma_wait3A_397] : memref<200x128xi32, #tpu.memory_space<vmem>> -> memref<1x128xi32, #tpu.memory_space<vmem>>
    %dma_wait3A_399 = tpu.memref_squeeze %dma_wait3A_398 : memref<1x128xi32, #tpu.memory_space<vmem>> -> memref<128xi32, #tpu.memory_space<vmem>>
    %dma_wait3A_400 = arith.constant 0 : i32
    %dma_wait3A_401 = arith.constant 0 : i32
    %dma_wait3A_402 = tpu.memref_slice %arg2[%dma_wait3A_400, %dma_wait3A_401] : memref<106496x32xf32, #tpu.memory_space<hbm>> -> memref<106496x32xf32, #tpu.memory_space<hbm>>
    %dma_wait3A_403 = tpu.memref_slice %arg12[%dma_wait3A_392] : memref<10x!tpu.dma_semaphore, #tpu.memory_space<semaphore_mem>> -> memref<1x!tpu.dma_semaphore, #tpu.memory_space<semaphore_mem>>
    %dma_wait3A_404 = tpu.memref_squeeze %dma_wait3A_403 : memref<1x!tpu.dma_semaphore, #tpu.memory_space<semaphore_mem>> -> memref<!tpu.dma_semaphore, #tpu.memory_space<semaphore_mem>>
    tpu.wait_indirect_dma semaphore(%dma_wait3A_404 : memref<!tpu.dma_semaphore, #tpu.memory_space<semaphore_mem>>) src(%dma_wait3A_402 : memref<106496x32xf32, #tpu.memory_space<hbm>>) dst(%dma_wait3A_396 : memref<128x32xf32, #tpu.memory_space<vmem>>)
    %dma_start3A_405 = arith.constant 9 : i32
    %dma_start3A_406 = arith.constant 9 : i32
    %dma_start3A_407 = arith.constant 0 : i32
    %dma_start3A_408 = arith.constant 0 : i32
    %dma_start3A_409 = tpu.memref_slice %arg9[%dma_start3A_405, %dma_start3A_407, %dma_start3A_408] : memref<10x128x32xf32, #tpu.memory_space<vmem>> -> memref<1x128x32xf32, #tpu.memory_space<vmem>>
    %dma_start3A_410 = tpu.memref_squeeze %dma_start3A_409 : memref<1x128x32xf32, #tpu.memory_space<vmem>> -> memref<128x32xf32, #tpu.memory_space<vmem>>
    %dma_start3A_411 = arith.constant 0 : i32
    %dma_start3A_412 = arith.constant 0 : i32
    %dma_start3A_413 = tpu.memref_slice %arg11[%dma_start3A_411, %dma_start3A_412] : memref<4096x32xf32, #tpu.memory_space<vmem_shared>> -> memref<4096x32xf32, #tpu.memory_space<vmem_shared>>
    %dma_start3A_414 = tpu.memref_slice %arg13[%dma_start3A_406] : memref<10x!tpu.dma_semaphore, #tpu.memory_space<semaphore_mem>> -> memref<1x!tpu.dma_semaphore, #tpu.memory_space<semaphore_mem>>
    %dma_start3A_415 = tpu.memref_squeeze %dma_start3A_414 : memref<1x!tpu.dma_semaphore, #tpu.memory_space<semaphore_mem>> -> memref<!tpu.dma_semaphore, #tpu.memory_space<semaphore_mem>>
    tpu.enqueue_indirect_dma source(%dma_start3A_410 : memref<128x32xf32, #tpu.memory_space<vmem>>) target(%dma_start3A_413 : memref<4096x32xf32, #tpu.memory_space<vmem_shared>>) offsets(%arg8 : memref<128xi32, #tpu.memory_space<vmem>>) semaphore(%dma_start3A_415 : memref<!tpu.dma_semaphore, #tpu.memory_space<semaphore_mem>>) {add = true}
    %dma_wait3A_416 = arith.constant 0 : i32
    %dma_wait3A_417 = arith.constant 0 : i32
    %dma_wait3A_418 = arith.constant 0 : i32
    %dma_wait3A_419 = arith.constant 0 : i32
    %dma_wait3A_420 = tpu.memref_slice %arg9[%dma_wait3A_416, %dma_wait3A_418, %dma_wait3A_419] : memref<10x128x32xf32, #tpu.memory_space<vmem>> -> memref<1x128x32xf32, #tpu.memory_space<vmem>>
    %dma_wait3A_421 = tpu.memref_squeeze %dma_wait3A_420 : memref<1x128x32xf32, #tpu.memory_space<vmem>> -> memref<128x32xf32, #tpu.memory_space<vmem>>
    %dma_wait3A_422 = arith.constant 0 : i32
    %dma_wait3A_423 = arith.constant 0 : i32
    %dma_wait3A_424 = tpu.memref_slice %arg11[%dma_wait3A_422, %dma_wait3A_423] : memref<4096x32xf32, #tpu.memory_space<vmem_shared>> -> memref<4096x32xf32, #tpu.memory_space<vmem_shared>>
    %dma_wait3A_425 = tpu.memref_slice %arg13[%dma_wait3A_417] : memref<10x!tpu.dma_semaphore, #tpu.memory_space<semaphore_mem>> -> memref<1x!tpu.dma_semaphore, #tpu.memory_space<semaphore_mem>>
    %dma_wait3A_426 = tpu.memref_squeeze %dma_wait3A_425 : memref<1x!tpu.dma_semaphore, #tpu.memory_space<semaphore_mem>> -> memref<!tpu.dma_semaphore, #tpu.memory_space<semaphore_mem>>
    tpu.wait_indirect_dma semaphore(%dma_wait3A_426 : memref<!tpu.dma_semaphore, #tpu.memory_space<semaphore_mem>>) src(%dma_wait3A_421 : memref<128x32xf32, #tpu.memory_space<vmem>>) dst(%dma_wait3A_424 : memref<4096x32xf32, #tpu.memory_space<vmem_shared>>)
    %dma_wait3A_427 = arith.constant 1 : i32
    %dma_wait3A_428 = arith.constant 1 : i32
    %dma_wait3A_429 = arith.constant 0 : i32
    %dma_wait3A_430 = arith.constant 0 : i32
    %dma_wait3A_431 = tpu.memref_slice %arg9[%dma_wait3A_427, %dma_wait3A_429, %dma_wait3A_430] : memref<10x128x32xf32, #tpu.memory_space<vmem>> -> memref<1x128x32xf32, #tpu.memory_space<vmem>>
    %dma_wait3A_432 = tpu.memref_squeeze %dma_wait3A_431 : memref<1x128x32xf32, #tpu.memory_space<vmem>> -> memref<128x32xf32, #tpu.memory_space<vmem>>
    %dma_wait3A_433 = arith.constant 0 : i32
    %dma_wait3A_434 = arith.constant 0 : i32
    %dma_wait3A_435 = tpu.memref_slice %arg11[%dma_wait3A_433, %dma_wait3A_434] : memref<4096x32xf32, #tpu.memory_space<vmem_shared>> -> memref<4096x32xf32, #tpu.memory_space<vmem_shared>>
    %dma_wait3A_436 = tpu.memref_slice %arg13[%dma_wait3A_428] : memref<10x!tpu.dma_semaphore, #tpu.memory_space<semaphore_mem>> -> memref<1x!tpu.dma_semaphore, #tpu.memory_space<semaphore_mem>>
    %dma_wait3A_437 = tpu.memref_squeeze %dma_wait3A_436 : memref<1x!tpu.dma_semaphore, #tpu.memory_space<semaphore_mem>> -> memref<!tpu.dma_semaphore, #tpu.memory_space<semaphore_mem>>
    tpu.wait_indirect_dma semaphore(%dma_wait3A_437 : memref<!tpu.dma_semaphore, #tpu.memory_space<semaphore_mem>>) src(%dma_wait3A_432 : memref<128x32xf32, #tpu.memory_space<vmem>>) dst(%dma_wait3A_435 : memref<4096x32xf32, #tpu.memory_space<vmem_shared>>)
    %dma_wait3A_438 = arith.constant 2 : i32
    %dma_wait3A_439 = arith.constant 2 : i32
    %dma_wait3A_440 = arith.constant 0 : i32
    %dma_wait3A_441 = arith.constant 0 : i32
    %dma_wait3A_442 = tpu.memref_slice %arg9[%dma_wait3A_438, %dma_wait3A_440, %dma_wait3A_441] : memref<10x128x32xf32, #tpu.memory_space<vmem>> -> memref<1x128x32xf32, #tpu.memory_space<vmem>>
    %dma_wait3A_443 = tpu.memref_squeeze %dma_wait3A_442 : memref<1x128x32xf32, #tpu.memory_space<vmem>> -> memref<128x32xf32, #tpu.memory_space<vmem>>
    %dma_wait3A_444 = arith.constant 0 : i32
    %dma_wait3A_445 = arith.constant 0 : i32
    %dma_wait3A_446 = tpu.memref_slice %arg11[%dma_wait3A_444, %dma_wait3A_445] : memref<4096x32xf32, #tpu.memory_space<vmem_shared>> -> memref<4096x32xf32, #tpu.memory_space<vmem_shared>>
    %dma_wait3A_447 = tpu.memref_slice %arg13[%dma_wait3A_439] : memref<10x!tpu.dma_semaphore, #tpu.memory_space<semaphore_mem>> -> memref<1x!tpu.dma_semaphore, #tpu.memory_space<semaphore_mem>>
    %dma_wait3A_448 = tpu.memref_squeeze %dma_wait3A_447 : memref<1x!tpu.dma_semaphore, #tpu.memory_space<semaphore_mem>> -> memref<!tpu.dma_semaphore, #tpu.memory_space<semaphore_mem>>
    tpu.wait_indirect_dma semaphore(%dma_wait3A_448 : memref<!tpu.dma_semaphore, #tpu.memory_space<semaphore_mem>>) src(%dma_wait3A_443 : memref<128x32xf32, #tpu.memory_space<vmem>>) dst(%dma_wait3A_446 : memref<4096x32xf32, #tpu.memory_space<vmem_shared>>)
    %dma_wait3A_449 = arith.constant 3 : i32
    %dma_wait3A_450 = arith.constant 3 : i32
    %dma_wait3A_451 = arith.constant 0 : i32
    %dma_wait3A_452 = arith.constant 0 : i32
    %dma_wait3A_453 = tpu.memref_slice %arg9[%dma_wait3A_449, %dma_wait3A_451, %dma_wait3A_452] : memref<10x128x32xf32, #tpu.memory_space<vmem>> -> memref<1x128x32xf32, #tpu.memory_space<vmem>>
    %dma_wait3A_454 = tpu.memref_squeeze %dma_wait3A_453 : memref<1x128x32xf32, #tpu.memory_space<vmem>> -> memref<128x32xf32, #tpu.memory_space<vmem>>
    %dma_wait3A_455 = arith.constant 0 : i32
    %dma_wait3A_456 = arith.constant 0 : i32
    %dma_wait3A_457 = tpu.memref_slice %arg11[%dma_wait3A_455, %dma_wait3A_456] : memref<4096x32xf32, #tpu.memory_space<vmem_shared>> -> memref<4096x32xf32, #tpu.memory_space<vmem_shared>>
    %dma_wait3A_458 = tpu.memref_slice %arg13[%dma_wait3A_450] : memref<10x!tpu.dma_semaphore, #tpu.memory_space<semaphore_mem>> -> memref<1x!tpu.dma_semaphore, #tpu.memory_space<semaphore_mem>>
    %dma_wait3A_459 = tpu.memref_squeeze %dma_wait3A_458 : memref<1x!tpu.dma_semaphore, #tpu.memory_space<semaphore_mem>> -> memref<!tpu.dma_semaphore, #tpu.memory_space<semaphore_mem>>
    tpu.wait_indirect_dma semaphore(%dma_wait3A_459 : memref<!tpu.dma_semaphore, #tpu.memory_space<semaphore_mem>>) src(%dma_wait3A_454 : memref<128x32xf32, #tpu.memory_space<vmem>>) dst(%dma_wait3A_457 : memref<4096x32xf32, #tpu.memory_space<vmem_shared>>)
    %dma_wait3A_460 = arith.constant 4 : i32
    %dma_wait3A_461 = arith.constant 4 : i32
    %dma_wait3A_462 = arith.constant 0 : i32
    %dma_wait3A_463 = arith.constant 0 : i32
    %dma_wait3A_464 = tpu.memref_slice %arg9[%dma_wait3A_460, %dma_wait3A_462, %dma_wait3A_463] : memref<10x128x32xf32, #tpu.memory_space<vmem>> -> memref<1x128x32xf32, #tpu.memory_space<vmem>>
    %dma_wait3A_465 = tpu.memref_squeeze %dma_wait3A_464 : memref<1x128x32xf32, #tpu.memory_space<vmem>> -> memref<128x32xf32, #tpu.memory_space<vmem>>
    %dma_wait3A_466 = arith.constant 0 : i32
    %dma_wait3A_467 = arith.constant 0 : i32
    %dma_wait3A_468 = tpu.memref_slice %arg11[%dma_wait3A_466, %dma_wait3A_467] : memref<4096x32xf32, #tpu.memory_space<vmem_shared>> -> memref<4096x32xf32, #tpu.memory_space<vmem_shared>>
    %dma_wait3A_469 = tpu.memref_slice %arg13[%dma_wait3A_461] : memref<10x!tpu.dma_semaphore, #tpu.memory_space<semaphore_mem>> -> memref<1x!tpu.dma_semaphore, #tpu.memory_space<semaphore_mem>>
    %dma_wait3A_470 = tpu.memref_squeeze %dma_wait3A_469 : memref<1x!tpu.dma_semaphore, #tpu.memory_space<semaphore_mem>> -> memref<!tpu.dma_semaphore, #tpu.memory_space<semaphore_mem>>
    tpu.wait_indirect_dma semaphore(%dma_wait3A_470 : memref<!tpu.dma_semaphore, #tpu.memory_space<semaphore_mem>>) src(%dma_wait3A_465 : memref<128x32xf32, #tpu.memory_space<vmem>>) dst(%dma_wait3A_468 : memref<4096x32xf32, #tpu.memory_space<vmem_shared>>)
    %dma_wait3A_471 = arith.constant 5 : i32
    %dma_wait3A_472 = arith.constant 5 : i32
    %dma_wait3A_473 = arith.constant 0 : i32
    %dma_wait3A_474 = arith.constant 0 : i32
    %dma_wait3A_475 = tpu.memref_slice %arg9[%dma_wait3A_471, %dma_wait3A_473, %dma_wait3A_474] : memref<10x128x32xf32, #tpu.memory_space<vmem>> -> memref<1x128x32xf32, #tpu.memory_space<vmem>>
    %dma_wait3A_476 = tpu.memref_squeeze %dma_wait3A_475 : memref<1x128x32xf32, #tpu.memory_space<vmem>> -> memref<128x32xf32, #tpu.memory_space<vmem>>
    %dma_wait3A_477 = arith.constant 0 : i32
    %dma_wait3A_478 = arith.constant 0 : i32
    %dma_wait3A_479 = tpu.memref_slice %arg11[%dma_wait3A_477, %dma_wait3A_478] : memref<4096x32xf32, #tpu.memory_space<vmem_shared>> -> memref<4096x32xf32, #tpu.memory_space<vmem_shared>>
    %dma_wait3A_480 = tpu.memref_slice %arg13[%dma_wait3A_472] : memref<10x!tpu.dma_semaphore, #tpu.memory_space<semaphore_mem>> -> memref<1x!tpu.dma_semaphore, #tpu.memory_space<semaphore_mem>>
    %dma_wait3A_481 = tpu.memref_squeeze %dma_wait3A_480 : memref<1x!tpu.dma_semaphore, #tpu.memory_space<semaphore_mem>> -> memref<!tpu.dma_semaphore, #tpu.memory_space<semaphore_mem>>
    tpu.wait_indirect_dma semaphore(%dma_wait3A_481 : memref<!tpu.dma_semaphore, #tpu.memory_space<semaphore_mem>>) src(%dma_wait3A_476 : memref<128x32xf32, #tpu.memory_space<vmem>>) dst(%dma_wait3A_479 : memref<4096x32xf32, #tpu.memory_space<vmem_shared>>)
    %dma_wait3A_482 = arith.constant 6 : i32
    %dma_wait3A_483 = arith.constant 6 : i32
    %dma_wait3A_484 = arith.constant 0 : i32
    %dma_wait3A_485 = arith.constant 0 : i32
    %dma_wait3A_486 = tpu.memref_slice %arg9[%dma_wait3A_482, %dma_wait3A_484, %dma_wait3A_485] : memref<10x128x32xf32, #tpu.memory_space<vmem>> -> memref<1x128x32xf32, #tpu.memory_space<vmem>>
    %dma_wait3A_487 = tpu.memref_squeeze %dma_wait3A_486 : memref<1x128x32xf32, #tpu.memory_space<vmem>> -> memref<128x32xf32, #tpu.memory_space<vmem>>
    %dma_wait3A_488 = arith.constant 0 : i32
    %dma_wait3A_489 = arith.constant 0 : i32
    %dma_wait3A_490 = tpu.memref_slice %arg11[%dma_wait3A_488, %dma_wait3A_489] : memref<4096x32xf32, #tpu.memory_space<vmem_shared>> -> memref<4096x32xf32, #tpu.memory_space<vmem_shared>>
    %dma_wait3A_491 = tpu.memref_slice %arg13[%dma_wait3A_483] : memref<10x!tpu.dma_semaphore, #tpu.memory_space<semaphore_mem>> -> memref<1x!tpu.dma_semaphore, #tpu.memory_space<semaphore_mem>>
    %dma_wait3A_492 = tpu.memref_squeeze %dma_wait3A_491 : memref<1x!tpu.dma_semaphore, #tpu.memory_space<semaphore_mem>> -> memref<!tpu.dma_semaphore, #tpu.memory_space<semaphore_mem>>
    tpu.wait_indirect_dma semaphore(%dma_wait3A_492 : memref<!tpu.dma_semaphore, #tpu.memory_space<semaphore_mem>>) src(%dma_wait3A_487 : memref<128x32xf32, #tpu.memory_space<vmem>>) dst(%dma_wait3A_490 : memref<4096x32xf32, #tpu.memory_space<vmem_shared>>)
    %dma_wait3A_493 = arith.constant 7 : i32
    %dma_wait3A_494 = arith.constant 7 : i32
    %dma_wait3A_495 = arith.constant 0 : i32
    %dma_wait3A_496 = arith.constant 0 : i32
    %dma_wait3A_497 = tpu.memref_slice %arg9[%dma_wait3A_493, %dma_wait3A_495, %dma_wait3A_496] : memref<10x128x32xf32, #tpu.memory_space<vmem>> -> memref<1x128x32xf32, #tpu.memory_space<vmem>>
    %dma_wait3A_498 = tpu.memref_squeeze %dma_wait3A_497 : memref<1x128x32xf32, #tpu.memory_space<vmem>> -> memref<128x32xf32, #tpu.memory_space<vmem>>
    %dma_wait3A_499 = arith.constant 0 : i32
    %dma_wait3A_500 = arith.constant 0 : i32
    %dma_wait3A_501 = tpu.memref_slice %arg11[%dma_wait3A_499, %dma_wait3A_500] : memref<4096x32xf32, #tpu.memory_space<vmem_shared>> -> memref<4096x32xf32, #tpu.memory_space<vmem_shared>>
    %dma_wait3A_502 = tpu.memref_slice %arg13[%dma_wait3A_494] : memref<10x!tpu.dma_semaphore, #tpu.memory_space<semaphore_mem>> -> memref<1x!tpu.dma_semaphore, #tpu.memory_space<semaphore_mem>>
    %dma_wait3A_503 = tpu.memref_squeeze %dma_wait3A_502 : memref<1x!tpu.dma_semaphore, #tpu.memory_space<semaphore_mem>> -> memref<!tpu.dma_semaphore, #tpu.memory_space<semaphore_mem>>
    tpu.wait_indirect_dma semaphore(%dma_wait3A_503 : memref<!tpu.dma_semaphore, #tpu.memory_space<semaphore_mem>>) src(%dma_wait3A_498 : memref<128x32xf32, #tpu.memory_space<vmem>>) dst(%dma_wait3A_501 : memref<4096x32xf32, #tpu.memory_space<vmem_shared>>)
    %dma_wait3A_504 = arith.constant 8 : i32
    %dma_wait3A_505 = arith.constant 8 : i32
    %dma_wait3A_506 = arith.constant 0 : i32
    %dma_wait3A_507 = arith.constant 0 : i32
    %dma_wait3A_508 = tpu.memref_slice %arg9[%dma_wait3A_504, %dma_wait3A_506, %dma_wait3A_507] : memref<10x128x32xf32, #tpu.memory_space<vmem>> -> memref<1x128x32xf32, #tpu.memory_space<vmem>>
    %dma_wait3A_509 = tpu.memref_squeeze %dma_wait3A_508 : memref<1x128x32xf32, #tpu.memory_space<vmem>> -> memref<128x32xf32, #tpu.memory_space<vmem>>
    %dma_wait3A_510 = arith.constant 0 : i32
    %dma_wait3A_511 = arith.constant 0 : i32
    %dma_wait3A_512 = tpu.memref_slice %arg11[%dma_wait3A_510, %dma_wait3A_511] : memref<4096x32xf32, #tpu.memory_space<vmem_shared>> -> memref<4096x32xf32, #tpu.memory_space<vmem_shared>>
    %dma_wait3A_513 = tpu.memref_slice %arg13[%dma_wait3A_505] : memref<10x!tpu.dma_semaphore, #tpu.memory_space<semaphore_mem>> -> memref<1x!tpu.dma_semaphore, #tpu.memory_space<semaphore_mem>>
    %dma_wait3A_514 = tpu.memref_squeeze %dma_wait3A_513 : memref<1x!tpu.dma_semaphore, #tpu.memory_space<semaphore_mem>> -> memref<!tpu.dma_semaphore, #tpu.memory_space<semaphore_mem>>
    tpu.wait_indirect_dma semaphore(%dma_wait3A_514 : memref<!tpu.dma_semaphore, #tpu.memory_space<semaphore_mem>>) src(%dma_wait3A_509 : memref<128x32xf32, #tpu.memory_space<vmem>>) dst(%dma_wait3A_512 : memref<4096x32xf32, #tpu.memory_space<vmem_shared>>)
    %dma_wait3A_515 = arith.constant 9 : i32
    %dma_wait3A_516 = arith.constant 9 : i32
    %dma_wait3A_517 = arith.constant 0 : i32
    %dma_wait3A_518 = arith.constant 0 : i32
    %dma_wait3A_519 = tpu.memref_slice %arg9[%dma_wait3A_515, %dma_wait3A_517, %dma_wait3A_518] : memref<10x128x32xf32, #tpu.memory_space<vmem>> -> memref<1x128x32xf32, #tpu.memory_space<vmem>>
    %dma_wait3A_520 = tpu.memref_squeeze %dma_wait3A_519 : memref<1x128x32xf32, #tpu.memory_space<vmem>> -> memref<128x32xf32, #tpu.memory_space<vmem>>
    %dma_wait3A_521 = arith.constant 0 : i32
    %dma_wait3A_522 = arith.constant 0 : i32
    %dma_wait3A_523 = tpu.memref_slice %arg11[%dma_wait3A_521, %dma_wait3A_522] : memref<4096x32xf32, #tpu.memory_space<vmem_shared>> -> memref<4096x32xf32, #tpu.memory_space<vmem_shared>>
    %dma_wait3A_524 = tpu.memref_slice %arg13[%dma_wait3A_516] : memref<10x!tpu.dma_semaphore, #tpu.memory_space<semaphore_mem>> -> memref<1x!tpu.dma_semaphore, #tpu.memory_space<semaphore_mem>>
    %dma_wait3A_525 = tpu.memref_squeeze %dma_wait3A_524 : memref<1x!tpu.dma_semaphore, #tpu.memory_space<semaphore_mem>> -> memref<!tpu.dma_semaphore, #tpu.memory_space<semaphore_mem>>
    tpu.wait_indirect_dma semaphore(%dma_wait3A_525 : memref<!tpu.dma_semaphore, #tpu.memory_space<semaphore_mem>>) src(%dma_wait3A_520 : memref<128x32xf32, #tpu.memory_space<vmem>>) dst(%dma_wait3A_523 : memref<4096x32xf32, #tpu.memory_space<vmem_shared>>)
    "tpu.region"() ({
      %run_scoped3A = tpu.sem_alloc : memref<!tpu.dma_semaphore, #tpu.memory_space<semaphore_mem>>
      %dma_start3A_526 = arith.constant 0 : i32
      %dma_start3A_527 = tpu.memref_slice %arg11[%mul3A_2, %dma_start3A_526] : memref<4096x32xf32, #tpu.memory_space<vmem_shared>> -> memref<128x32xf32, #tpu.memory_space<vmem_shared>>
      %dma_start3A_528 = arith.constant 0 : i32
      %dma_start3A_529 = tpu.memref_slice %arg11[%mul3A_2, %dma_start3A_528] : memref<4096x32xf32, #tpu.memory_space<vmem_shared>> -> memref<128x32xf32, #tpu.memory_space<vmem_shared>>
      tpu.enqueue_dma source(%dma_start3A_529 : memref<128x32xf32, #tpu.memory_space<vmem_shared>>) target(%arg10 : memref<128x32xf32, #tpu.memory_space<vmem>>) target_semaphore(%run_scoped3A : memref<!tpu.dma_semaphore, #tpu.memory_space<semaphore_mem>>)
      %dma_wait3A_530 = arith.constant 0 : i32
      %dma_wait3A_531 = tpu.memref_slice %arg11[%mul3A_2, %dma_wait3A_530] : memref<4096x32xf32, #tpu.memory_space<vmem_shared>> -> memref<128x32xf32, #tpu.memory_space<vmem_shared>>
      %dma_wait3A_532 = arith.constant 0 : i32
      %dma_wait3A_533 = tpu.memref_slice %arg11[%mul3A_2, %dma_wait3A_532] : memref<4096x32xf32, #tpu.memory_space<vmem_shared>> -> memref<128x32xf32, #tpu.memory_space<vmem_shared>>
      tpu.wait_dma2 semaphore(%run_scoped3A : memref<!tpu.dma_semaphore, #tpu.memory_space<semaphore_mem>>) src(%dma_wait3A_533 : memref<128x32xf32, #tpu.memory_space<vmem_shared>>) dst(%arg10 : memref<128x32xf32, #tpu.memory_space<vmem>>)
      tpu.yield
    }) : () -> ()
    "tpu.region"() ({
      %run_scoped3A = tpu.sem_alloc : memref<!tpu.dma_semaphore, #tpu.memory_space<semaphore_mem>>
      %dma_start3A_526 = arith.constant 0 : i32
      %dma_start3A_527 = tpu.memref_slice %arg6[%mul3A_2, %dma_start3A_526] : memref<4096x128xf32, #tpu.memory_space<hbm>> -> memref<128x32xf32, #tpu.memory_space<hbm>>
      %dma_start3A_528 = arith.constant 0 : i32
      %dma_start3A_529 = tpu.memref_slice %arg6[%mul3A_2, %dma_start3A_528] : memref<4096x128xf32, #tpu.memory_space<hbm>> -> memref<128x32xf32, #tpu.memory_space<hbm>>
      tpu.enqueue_dma source(%arg10 : memref<128x32xf32, #tpu.memory_space<vmem>>) target(%dma_start3A_529 : memref<128x32xf32, #tpu.memory_space<hbm>>) target_semaphore(%run_scoped3A : memref<!tpu.dma_semaphore, #tpu.memory_space<semaphore_mem>>)
      %dma_wait3A_530 = arith.constant 0 : i32
      %dma_wait3A_531 = tpu.memref_slice %arg6[%mul3A_2, %dma_wait3A_530] : memref<4096x128xf32, #tpu.memory_space<hbm>> -> memref<128x32xf32, #tpu.memory_space<hbm>>
      %dma_wait3A_532 = arith.constant 0 : i32
      %dma_wait3A_533 = tpu.memref_slice %arg6[%mul3A_2, %dma_wait3A_532] : memref<4096x128xf32, #tpu.memory_space<hbm>> -> memref<128x32xf32, #tpu.memory_space<hbm>>
      tpu.wait_dma2 semaphore(%run_scoped3A : memref<!tpu.dma_semaphore, #tpu.memory_space<semaphore_mem>>) src(%arg10 : memref<128x32xf32, #tpu.memory_space<vmem>>) dst(%dma_wait3A_533 : memref<128x32xf32, #tpu.memory_space<hbm>>)
      tpu.yield
    }) : () -> ()
    return
  }
}

module attributes {stable_mosaic.version = 14 : i64} {
  func.func @_proj_body(%arg0: i32, %arg1: memref<64x8192xf32, #tpu.memory_space<vmem>>, %arg2: memref<256x128xf32, #tpu.memory_space<vmem>>, %arg3: memref<2048x128xf32, #tpu.memory_space<vmem>>) attributes {dimension_semantics = [#tpu.dimension_semantics<arbitrary>], iteration_bounds = array<i64: 13>, scalar_prefetch = 0 : i64, scratch_operands = 0 : i64, tpu.core_type = #tpu.core_type<tc>, window_params = [{transform_indices = @transform_0, window_bounds = array<i64: 64, 8192>}, {pipeline_mode = #tpu.pipeline_mode<synchronous>, transform_indices = @transform_1, window_bounds = array<i64: 256, 128>}, {transform_indices = @transform_2, window_bounds = array<i64: 2048, 128>}]} {
    %get3A = arith.constant 0 : index
    %get3A_0 = arith.constant 0 : index
    %get3A_1 = vector.load %arg1[%get3A, %get3A_0] : memref<64x8192xf32, #tpu.memory_space<vmem>>, vector<64x8192xf32>
    %slice3A = vector.extract_strided_slice %get3A_1 {offsets = [0, 0], sizes = [64, 2048], strides = [1, 1]} : vector<64x8192xf32> to vector<64x2048xf32>
    %get3A_2 = arith.constant 0 : index
    %get3A_3 = arith.constant 0 : index
    %get3A_4 = vector.load %arg2[%get3A_2, %get3A_3] : memref<256x128xf32, #tpu.memory_space<vmem>>, vector<256x128xf32>
    %slice3A_5 = vector.extract_strided_slice %get3A_4 {offsets = [0, 0], sizes = [64, 128], strides = [1, 1]} : vector<256x128xf32> to vector<64x128xf32>
    %dot_general3A = arith.constant dense<0.000000e+00> : vector<2048x128xf32>
    %dot_general3A_6 = tpu.matmul %slice3A, %slice3A_5, %dot_general3A {dimension_numbers = #tpu.dot_dimension_numbers<[0], [0], [1], [1], [0, 1, 1, 1], [], []>, transpose_lhs_hint = true} : vector<64x2048xf32>, vector<64x128xf32>, vector<2048x128xf32> -> vector<2048x128xf32>
    %slice3A_7 = vector.extract_strided_slice %get3A_1 {offsets = [0, 2048], sizes = [64, 2048], strides = [1, 1]} : vector<64x8192xf32> to vector<64x2048xf32>
    %get3A_8 = arith.constant 0 : index
    %get3A_9 = arith.constant 0 : index
    %get3A_10 = vector.load %arg2[%get3A_8, %get3A_9] : memref<256x128xf32, #tpu.memory_space<vmem>>, vector<256x128xf32>
    %slice3A_11 = vector.extract_strided_slice %get3A_10 {offsets = [64, 0], sizes = [64, 128], strides = [1, 1]} : vector<256x128xf32> to vector<64x128xf32>
    %dot_general3A_12 = arith.constant dense<0.000000e+00> : vector<2048x128xf32>
    %dot_general3A_13 = tpu.matmul %slice3A_7, %slice3A_11, %dot_general3A_12 {dimension_numbers = #tpu.dot_dimension_numbers<[0], [0], [1], [1], [0, 1, 1, 1], [], []>, transpose_lhs_hint = true} : vector<64x2048xf32>, vector<64x128xf32>, vector<2048x128xf32> -> vector<2048x128xf32>
    %add3A = arith.addf %dot_general3A_6, %dot_general3A_13 : vector<2048x128xf32>
    %slice3A_14 = vector.extract_strided_slice %get3A_1 {offsets = [0, 4096], sizes = [64, 2048], strides = [1, 1]} : vector<64x8192xf32> to vector<64x2048xf32>
    %get3A_15 = arith.constant 0 : index
    %get3A_16 = arith.constant 0 : index
    %get3A_17 = vector.load %arg2[%get3A_15, %get3A_16] : memref<256x128xf32, #tpu.memory_space<vmem>>, vector<256x128xf32>
    %slice3A_18 = vector.extract_strided_slice %get3A_17 {offsets = [128, 0], sizes = [64, 128], strides = [1, 1]} : vector<256x128xf32> to vector<64x128xf32>
    %dot_general3A_19 = arith.constant dense<0.000000e+00> : vector<2048x128xf32>
    %dot_general3A_20 = tpu.matmul %slice3A_14, %slice3A_18, %dot_general3A_19 {dimension_numbers = #tpu.dot_dimension_numbers<[0], [0], [1], [1], [0, 1, 1, 1], [], []>, transpose_lhs_hint = true} : vector<64x2048xf32>, vector<64x128xf32>, vector<2048x128xf32> -> vector<2048x128xf32>
    %add3A_21 = arith.addf %add3A, %dot_general3A_20 : vector<2048x128xf32>
    %slice3A_22 = vector.extract_strided_slice %get3A_1 {offsets = [0, 6144], sizes = [64, 2048], strides = [1, 1]} : vector<64x8192xf32> to vector<64x2048xf32>
    %get3A_23 = arith.constant 0 : index
    %get3A_24 = arith.constant 0 : index
    %get3A_25 = vector.load %arg2[%get3A_23, %get3A_24] : memref<256x128xf32, #tpu.memory_space<vmem>>, vector<256x128xf32>
    %slice3A_26 = vector.extract_strided_slice %get3A_25 {offsets = [192, 0], sizes = [64, 128], strides = [1, 1]} : vector<256x128xf32> to vector<64x128xf32>
    %dot_general3A_27 = arith.constant dense<0.000000e+00> : vector<2048x128xf32>
    %dot_general3A_28 = tpu.matmul %slice3A_22, %slice3A_26, %dot_general3A_27 {dimension_numbers = #tpu.dot_dimension_numbers<[0], [0], [1], [1], [0, 1, 1, 1], [], []>, transpose_lhs_hint = true} : vector<64x2048xf32>, vector<64x128xf32>, vector<2048x128xf32> -> vector<2048x128xf32>
    %add3A_29 = arith.addf %add3A_21, %dot_general3A_28 : vector<2048x128xf32>
    %swap3A = arith.constant 0 : index
    %swap3A_30 = arith.constant 0 : index
    %swap3A_31 = vector.load %arg3[%swap3A, %swap3A_30] : memref<2048x128xf32, #tpu.memory_space<vmem>>, vector<2048x128xf32>
    tpu.vector_store %arg3[%swap3A, %swap3A_30], %add3A_29 {strides = array<i32>} : memref<2048x128xf32, #tpu.memory_space<vmem>>, vector<2048x128xf32>,
    %eq3A = arith.constant 0 : i32
    %eq3A_32 = arith.cmpi eq, %arg0, %eq3A : i32
    %convert_element_type3A = arith.extui %eq3A_32 : i1 to i32
    %cond3A = arith.constant 0 : i32
    %cond3A_33 = arith.cmpi ne, %convert_element_type3A, %cond3A : i32
    scf.if %cond3A_33 {
      %broadcast_in_dim3A = arith.constant 0.000000e+00 : f32
      %broadcast_in_dim3A_34 = vector.broadcast %broadcast_in_dim3A : f32 to vector<1x32xf32>
      %swap3A_35 = arith.constant 0 : index
      %swap3A_36 = arith.constant 0 : index
      %swap3A_37 = vector.load %arg3[%swap3A_35, %swap3A_36] : memref<2048x128xf32, #tpu.memory_space<vmem>>, vector<1x32xf32>
      tpu.vector_store %arg3[%swap3A_35, %swap3A_36], %broadcast_in_dim3A_34 {strides = array<i32>} : memref<2048x128xf32, #tpu.memory_space<vmem>>, vector<1x32xf32>,
    } else {
    }
    return
  }
  func.func @transform_0(%arg0: i32) -> (i32, i32) {
    %c0_i32 = arith.constant 0 : i32
    %c0_i32_0 = arith.constant 0 : i32
    return %c0_i32, %arg0 : i32, i32
  }
  func.func @transform_1(%arg0: i32) -> (i32, i32) {
    %c0_i32 = arith.constant 0 : i32
    %c0_i32_0 = arith.constant 0 : i32
    %c0_i32_1 = arith.constant 0 : i32
    return %c0_i32, %c0_i32_0 : i32, i32
  }
  func.func @transform_2(%arg0: i32) -> (i32, i32) {
    %c0_i32 = arith.constant 0 : i32
    %c0_i32_0 = arith.constant 0 : i32
    return %arg0, %c0_i32 : i32, i32
  }
}

module attributes {stable_mosaic.version = 14 : i64} {
  func.func @_fin_body(%arg0: memref<4096x128xf32, #tpu.memory_space<vmem>>, %arg1: memref<4096x1xf32, #tpu.memory_space<vmem>>, %arg2: memref<1x20xf32, #tpu.memory_space<vmem>>, %arg3: memref<4096x20xf32, #tpu.memory_space<vmem>>) attributes {dimension_semantics = [], scalar_prefetch = 0 : i64, scratch_operands = 0 : i64, tpu.core_type = #tpu.core_type<tc>} {
    %get3A = arith.constant 0 : index
    %get3A_0 = arith.constant 0 : index
    %get3A_1 = vector.load %arg0[%get3A, %get3A_0] : memref<4096x128xf32, #tpu.memory_space<vmem>>, vector<4096x20xf32>
    %get3A_2 = arith.constant 0 : index
    %get3A_3 = arith.constant 0 : index
    %get3A_4 = vector.load %arg1[%get3A_2, %get3A_3] : memref<4096x1xf32, #tpu.memory_space<vmem>>, vector<4096x1xf32>
    %div3A = vector.broadcast %get3A_4 : vector<4096x1xf32> to vector<4096x20xf32>
    %div3A_5 = arith.divf %get3A_1, %div3A : vector<4096x20xf32>
    %get3A_6 = arith.constant 0 : index
    %get3A_7 = arith.constant 0 : index
    %get3A_8 = vector.load %arg2[%get3A_6, %get3A_7] : memref<1x20xf32, #tpu.memory_space<vmem>>, vector<1x20xf32>
    %add3A = vector.broadcast %get3A_8 : vector<1x20xf32> to vector<4096x20xf32>
    %add3A_9 = arith.addf %div3A_5, %add3A : vector<4096x20xf32>
    %swap3A = arith.constant 0 : index
    %swap3A_10 = arith.constant 0 : index
    %swap3A_11 = vector.load %arg3[%swap3A, %swap3A_10] : memref<4096x20xf32, #tpu.memory_space<vmem>>, vector<4096x20xf32>
    tpu.vector_store %arg3[%swap3A, %swap3A_10], %add3A_9 {strides = array<i32>} : memref<4096x20xf32, #tpu.memory_space<vmem>>, vector<4096x20xf32>,
    return
  }
}

</mosaic_0001>

<sc_bundles>
// kernel: kernel.5.cloned.1.call-start
scs
__scs_entry_jumppad:
0x0: {  	(pc) =	sbr.rel $0x88, $3  }
0x1: {  	(tag) =	ssettag $0x0;
	lr =	simm.s32 $0x1  }
0x2: {  	[smem:$0x3F9C] =	sst lr;
	_ =	strace $0xD0000000  }
0x3: {  	_ = 	snop  }
0x4: {  	_ = 	snop  }
0x5: {  	_ = 	snop  }
0x6: {  	_ = 	snop  }
0x7: {  	_ = 	snop  }
__scs_overlays_trampoline_lowered:
0x8: {  	[smem:$0x3FAB] =	sst s0  }
0x9: {  	[smem:$0x3FAC] =	sst s1  }
0xa: {  	[smem:$0x3FAD] =	sst s2  }
0xb: {  	[smem:$0x3FAE] =	sst s3  }
0xc: {  	[smem:$0x3FAF] =	sst s4  }
0xd: {  	[smem:$0x3FB0] =	sst s5  }
0xe: {  	[smem:$0x3FB1] =	sst s6  }
0xf: {  	[smem:$0x3FB2] =	sst s7  }
0x10: {  	[smem:$0x3FB3] =	sst s8  }
0x11: {  	[smem:$0x3FB4] =	sst s9;
	s0 =	simm.s32 @!p0 $0x0  }
0x12: {  	s1 =	sld [smem:$0x3F9A];
	s0 =	simm.s32 @p0 $0x1  }
0x13: {  	[smem:$0x3FB5] =	sst s0;
	s0 =	simm.s32 @!p1 $0x0  }
0x14: {  	s2 =	sld [smem:$0x3F99];
	s0 =	simm.s32 @p1 $0x1  }
0x15: {  	[smem:$0x3FB6] =	sst s0;
	s0 =	simm.s32 @!p2 $0x0  }
0x16: {  	s3 =	sld [smem:$0x3FDB];
	s0 =	simm.s32 @p2 $0x1  }
0x17: {  	s4 =	simm.s32 $0x1BF5;
	[smem:$0x3FB8] =	sst s0  }
0x18: {  	s0 =	sld [smem:$0x3F9B];
	_ =	swait.ge [sflag:s4], $0x0  }
0x19: {  	s7 =	sld [smem:$0x3F9C]  }
0x1a: {  	s8 =	sadd.s32 $0xFFFFE003, lr  }
0x1b: {  	s9 =	sadd.s32 $0xFFFFFEF7, lr;
	s5 =	simm.s32 $0xFFFFFFFF;
	p2 =	slt.u32 s8, $0xFFFFF086  }
0x1c: {  	p1 =	slt.u32 s9, $0xF7A;
	s5 =	simm.s32 @!p2 $0x0  }
0x1d: {  	s5 =	simm.s32 @p1 $0x1;
	p0 =	seq.s32 s7, s2  }
0x1e: {  	s7 =	smul.u32 @!p0 $0xF7A, s2;
	p2 =	seq.s32 @!p0 s5, $0x0  }
0x1f: {  	s9 =	smul.u32 $0xF7A, s1;
	s8 =	simm.s32 @!p0 $0x1BF5;
	p2 =	por !p2, p0  }
0x20: {  	[sflag:s8] =	ssyncset.s32 @!p0 $0xFFFFF086;
	s6 =	sadd.s32 @!p0 s3, s7;
	s7 =	simm.s32 @!p0 $0x108  }
0x21: {  	s3 =	sadd.s32 s3, s9;
	s6 =	sadd.s32 @!p0 $0x88, s6;
	s7 =	simm.s32 @p2 $0x1082  }
0x22: {  	[simem:s7], [sflag:s8] =	dma.local @!p0 [hbm:s6], $0xF7A  }
0x23: {  	s9 =	sor.u32 $0xD0000000, s2;
	s6 =	simm.s32 $0x108;
	_ =	swait.ge @!p0 [sflag:s8], $0x0  }
0x24: {  	s3 =	sadd.s32 $0x88, s3;
	s6 =	simm.s32 @!p1 $0x1082;
	[sflag:s4] =	ssyncset.s32 $0xFFFFF086  }
0x25: {  	[simem:s6], [sflag:s4] =	dma.local [hbm:s3], $0xF7A  }
0x26: {  	[smem:$0x3F9C] =	sst s1;
	(tag) =	ssettag s2;
	_ =	strace s9  }
0x27: {  	s1 =	sld [smem:$0x3FAC]  }
0x28: {  	s2 =	sld [smem:$0x3FAD]  }
0x29: {  	s4 =	sld [smem:$0x3FAF]  }
0x2a: {  	p0 =	seq.s32 s5, $0x0;
	s5 =	sld [smem:$0x3FB0]  }
0x2b: {  	s6 =	sld [smem:$0x3FB1]  }
0x2c: {  	s7 =	sld [smem:$0x3FB2]  }
0x2d: {  	s3 =	simm.s32 $0x108;
	s8 =	sld [smem:$0x3FB3]  }
0x2e: {  	s3 =	simm.s32 @!p0 $0x1082;
	s9 =	sld [smem:$0x3FB4]  }
0x2f: {  	lr =	sadd.s32 s0, s3;
	s0 =	sld [smem:$0x3FAB]  }
0x30: {  	s3 =	sld [smem:$0x3FAE]  }
0x31: {  	[smem:$0x3FB7] =	sst s10  }
0x32: {  	s10 =	sld [smem:$0x3FB5];
	_ =	sdelay $0x3  }
0x33: {  	p0 =	seq.s32 s10, $0x1;
	s10 =	sld [smem:$0x3FB7];
	_ =	sdelay $0x3  }
0x34: {  	[smem:$0x3FB7] =	sst s10  }
0x35: {  	s10 =	sld [smem:$0x3FB6];
	_ =	sdelay $0x3  }
0x36: {  	p1 =	seq.s32 s10, $0x1;
	s10 =	sld [smem:$0x3FB7];
	_ =	sdelay $0x3  }
0x37: {  	[smem:$0x3FB7] =	sst s10  }
0x38: {  	s10 =	sld [smem:$0x3FB8]  }
0x39: {  	_ = 	snop;
	(pc) =	sbr.ind lr, $3  }
0x3a: {  	_ = 	snop  }
0x3b: {  	_ = 	snop  }
0x3c: {  	p2 =	seq.s32 s10, $0x1;
	s10 =	sld [smem:$0x3FB7]  }
0x3d: {  	_ =	shalt  }
0x3e: {  	_ =	shalt  }
0x3f: {  	_ =	shalt  }
0x40: {  	_ =	shalt  }
0x41: {  	_ =	shalt  }
0x42: {  	_ =	shalt  }
0x43: {  	_ =	shalt  }
0x44: {  	_ =	shalt  }
0x45: {  	_ =	shalt  }
0x46: {  	_ =	shalt  }
0x47: {  	_ =	shalt  }
0x48: {  	_ =	shalt  }
0x49: {  	_ =	shalt  }
0x4a: {  	_ =	shalt  }
0x4b: {  	_ =	shalt  }
0x4c: {  	_ =	shalt  }
0x4d: {  	_ =	shalt  }
0x4e: {  	_ =	shalt  }
0x4f: {  	_ =	shalt  }
0x50: {  	_ =	shalt  }
0x51: {  	_ =	shalt  }
0x52: {  	_ =	shalt  }
0x53: {  	_ =	shalt  }
0x54: {  	_ =	shalt  }
0x55: {  	_ =	shalt  }
0x56: {  	_ =	shalt  }
0x57: {  	_ =	shalt  }
0x58: {  	_ =	shalt  }
0x59: {  	_ =	shalt  }
0x5a: {  	_ =	shalt  }
0x5b: {  	_ =	shalt  }
0x5c: {  	_ =	shalt  }
0x5d: {  	_ =	shalt  }
0x5e: {  	_ =	shalt  }
0x5f: {  	_ =	shalt  }
0x60: {  	_ =	shalt  }
0x61: {  	_ =	shalt  }
0x62: {  	_ =	shalt  }
0x63: {  	_ =	shalt  }
0x64: {  	_ =	shalt  }
0x65: {  	_ =	shalt  }
0x66: {  	_ =	shalt  }
0x67: {  	_ =	shalt  }
0x68: {  	_ =	shalt  }
0x69: {  	_ =	shalt  }
0x6a: {  	_ =	shalt  }
0x6b: {  	_ =	shalt  }
0x6c: {  	_ =	shalt  }
0x6d: {  	_ =	shalt  }
0x6e: {  	_ =	shalt  }
0x6f: {  	_ =	shalt  }
0x70: {  	_ =	shalt  }
0x71: {  	_ =	shalt  }
0x72: {  	_ =	shalt  }
0x73: {  	_ =	shalt  }
0x74: {  	_ =	shalt  }
0x75: {  	_ =	shalt  }
0x76: {  	_ =	shalt  }
0x77: {  	_ =	shalt  }
0x78: {  	_ =	shalt  }
0x79: {  	_ =	shalt  }
0x7a: {  	_ =	shalt  }
0x7b: {  	_ =	shalt  }
0x7c: {  	_ =	shalt  }
0x7d: {  	_ =	shalt  }
0x7e: {  	_ =	shalt  }
0x7f: {  	_ =	shalt  }
0x80: {  	_ =	shalt  }
0x81: {  	_ =	shalt  }
0x82: {  	_ =	shalt  }
0x83: {  	_ =	shalt  }
0x84: {  	_ =	shalt  }
0x85: {  	_ =	shalt  }
0x86: {  	_ =	shalt  }
0x87: {  	_ =	shalt  }
.Lfunc_end0:
.L_simem_size_0:
called_computation_lowered:
.L_overlay_start_0:
0x88: {  	s2 =	sld [smem:$0x3FD9]  }
0x89: {  	s3 =	sld [smem:$0x3FFE];
	_ =	sdelay $0x1  }
0x8a: {  	s1 =	srdreg.scid  }
0x8b: {  	s0 =	sand.u32 $0x1, s1  }
0x8c: {  	s17 =	sshll.u32 s0, $0xA;
	s2 =	sadd.s32 s3, s2  }
0x8d: {  	s2 =	sadd.s32 s2, s17  }
0x8e: {  	[smem:$0x3FC3] =	sst s2  }
0x8f: {  	_ = 	snop  }
0x90: {  	s2 =	sld [smem:$0x3FD0];
	(tm) =	ssettm $0x1  }
0x91: {  	s18 =	sld [smem:$0x3FFB];
	_ =	sdelay $0x3  }
0x92: {  	_ =	strace s18  }
0x93: {  	s3 =	sld [smem:$0x3FFC];
	_ =	sdelay $0x3  }
0x94: {  	_ =	strace s3  }
0x95: {  	s3 =	sld [smem:$0x3FFD];
	_ =	sdelay $0x3  }
0x96: {  	_ =	strace s3  }
0x97: {  	_ =	strace $0x8FFFFFFF  }
0x98: {  	s19 =	sld [smem:$0x3FDB];
	_ =	sdelay $0x1  }
0x99: {  	s4 =	simm.s32 $_scs_section_size  }
0x9a: {  	s5 =	simm.s32 $_size__tile_overlayer_lowered;
	s6 =	simm.s32 $_tile_overlayer_lowered  }
0x9b: {  	s22 =	simm.s32 $0x1BFF;
	s21 =	sshll.u32 s6, $0x1;
	s3 =	sadd.s32 s4, s19  }
0x9c: {  	s7 =	simm.s32 $0x0;
	s20 =	sshll.u32 s5, $0x1;
	s5 =	sadd.s32 s21, s3  }
0x9d: {  	[timem:s7], [sflag:s22] =	dma.local [hbm:s5], s20  }
0x9e: {  	_ =	swait.ge [sflag:s22], s20  }
0x9f: {  	s4 =	ssub.s32 $0x0, s20;
	[sflag:s22] =	ssyncset.done $0x0  }
0xa0: {  	[sflag:s22] =	ssyncadd.s32 s4;
	_ =	sdelay $0x1  }
0xa1: {  	s23 =	simm.s32 $0x1B8B  }
0xa2: {  	_ =	swait.ge [sflag:s23], $0x1  }
0xa3: {  	[sflag:s23] =	ssyncset.done $0x0  }
0xa4: {  	s25 =	simm.s32 $0x1B8E;
	s24 =	sld [smem:$0x3FFE];
	[sflag:s23] =	ssyncadd.s32 $0xFFFFFFFF  }
0xa5: {  	s26 =	simm.s32 $execute0_lowered;
	[smem:$0x3FD2] =	sst s25  }
0xa6: {  	s5 =	sshll.u32 s26, $0x1;
	_ =	strace $0x80000046;
	[dreg:$0x1] =	wrdreg $0xFFFFFFFF  }
0xa7: {  	s28 =	simm.s32 $_size_execute0_lowered;
	s3 =	sadd.s32 s3, s5;
	[dreg:$0x0] =	wrdreg $0x0  }
0xa8: {  	s5 =	sshll.u32 s28, $0x1;
	[dreg:$0x2] =	wrdreg s3  }
0xa9: {  	[dreg:$0x3] =	wrdreg s5  }
0xaa: {  	[dreg:$0x4] =	wrdreg $0xC0  }
0xab: {  	_ =	task [dreg:s7], $0x5FFFF  }
0xac: {  	[dreg:$0x1] =	wrdreg $0xFFFFFFFF  }
0xad: {  	[dreg:$0x0] =	wrdreg $0x60  }
0xae: {  	[dreg:$0x2] =	wrdreg s24  }
0xaf: {  	[dreg:$0x3] =	wrdreg s2  }
0xb0: {  	[dreg:$0x4] =	wrdreg $0x114800  }
0xb1: {  	[dreg:$0x5] =	wrdreg $0x9  }
0xb2: {  	_ =	task.clear_ibuf [dreg:s7], $0x6FFFF;
	_ =	strace $0x90000046  }
0xb3: {  	s29 =	simm.s32 $0x9;
	_ =	strace $0x80000048  }
0xb4: {  	_ =	swait.ge [sflag:s29], $0x1  }
0xb5: {  	[sflag:s29] =	ssyncadd.s32 $0xFFFFFFFF  }
0xb6: {  	_ =	strace $0x90000048  }
0xb7: {  	_ =	sfence  }
0xb8: {  	s30 =	sld [smem:$0x0];
	_ =	sdelay $0x2  }
0xb9: {  	s31 =	sshll.u32 s1, $0xD;
	s1 =	sshrl.u32 s1, $0x2  }
0xba: {  	s3 =	sand.u32 $0x4000, s31;
	s1 =	sadd.s32 s1, s30  }
0xbb: {  	s0 =	sor.u32 s3, s0;
	s1 =	sshll.u32 s1, $0x11  }
0xbc: {  	s0 =	sor.u32 s1, s0  }
0xbd: {  	s0 =	sadd.s32 $0x8F2B, s0  }
0xbe: {  	[sflag:s0] =	ssyncadd.remote.s32 $0x1  }
0xbf: {  	_ =	sfence.sel $0xFFFF  }
0xc0: {  	[dreg:$0x0] =	wrdreg $0xFFFFFFFF;
	(pc) =	sbr.abs _section_cstart, $3  }
0xc1: {  	[dreg:$0x1] =	wrdreg $0xFFFFFFFF  }
0xc2: {  	_ =	task.clear_ibuf [dreg:s7], $0x2FFFF;
	_ =	strace $0x9FFFFFFF  }
0xc3: {  	(tm) =	ssettm $0x7FFFFFFF  }
tec
execute0_lowered:
.L_overlay_start_1:
0x0: {  	(tag) =	ssettag $0x1  }
0x1: {  	s0 =	rddreg [dreg:$0x0]  }
0x2: {  	s1 =	rddreg [dreg:$0x1]  }
0x3: {  	s2 =	rddreg [dreg:$0x2]  }
0x4: {  	s3 =	srdreg.scid;
	s4 =	simm.s32 $0x0;
	s5 =	stileid.u32  }
0x5: {  	s11 =	simm.s32 $0x80;
	s14 =	simm.s32 $0x6400;
	s31 =	simm.s32 $0x7  }
0x6: {  	s15 =	simm.s32 $0x10;
	s13 =	simm.s32 $0x11;
	s16 =	simm.s32 $0x12  }
0x7: {  	s17 =	simm.s32 $0x13;
	s19 =	simm.s32 $0x14;
	s29 =	simm.s32 $0xE480  }
0x8: {  	s3 =	sand.u32 $0x1, s3;
	[smem:$0x7FF] =	sst s4;
	s5 =	sshll.u32 s5, $0x7  }
0x9: {  	s4 =	sadd.s32 $0x19800, s0;
	s10 =	sadd.s32 $0x81800, s0;
	s26 =	sshll.u32 s3, $0xB  }
0xa: {  	_ =	strace $0x80000047;
	s3 =	ssub.s32 $0x2, s3;
	[dreg:$0x4] =	wrdreg s10  }
0xb: {  	s10 =	simm.s32 $0xD;
	s5 =	sor.u32 s5, s26;
	s9 =	sshrl.u32 s3, $0x1  }
0xc: {  	s6 =	sshrl.u32 s5, $0x3;
	s8 =	sshll.u32 s5, $0x4;
	s3 =	ssub.s32 s3, s9  }
0xd: {  	s28 =	sshll.u32 s5, $0x5;
	s5 =	simm.s32 $0x9;
	s9 =	simm.s32 $0xC  }
0xe: {  	s7 =	sadd.s32 s6, s0;
	s0 =	sadd.s32 s8, s0;
	s1 =	sadd.s32 s1, s6  }
0xf: {  	s12 =	sadd.s32 s28, s2;
	s30 =	smax.u32 s3, $0x1;
	[dreg:$0x6] =	wrdreg s1  }
0x10: {  	s6 =	simm.s32 $0xA;
	s3 =	simm.s32 $0xE;
	[dreg:$0x9] =	wrdreg s30  }
0x11: {  	s8 =	simm.s32 $0xF;
	s7 =	sadd.s32 $0x800, s7;
	[dreg:$0x7] =	wrdreg s12  }
0x12: {  	s0 =	sadd.s32 $0x81A00, s0;
	s1 =	simm.s32 $0x8;
	[dreg:$0x5] =	wrdreg s7  }
0x13: {  	[dreg:$0x8] =	wrdreg s0;
	s7 =	simm.s32 $0xB;
	s0 =	simm.s32 $0x0  }
.LBB2_1:
0x14: {  	[dreg:$0xa] =	wrdreg s0;
	s26 =	simm.s32 $0x0  }
0x15: {  	s25 =	simm.s32 $0x15;
	s23 =	rddreg [dreg:$0x5];
	s21 =	simm.s32 $0x1000  }
0x16: {  	[tilespmem:s26], [sflag:$0x15] =	stream.strided.gather [hbm4b:s23+s11], $0x6400, s21, s11, $0x38;
	[tilespmem:$0x13480] =	vst v63  }
0x17: {  	_ =	swait.ge [sflag:s25], $0x6400  }
0x18: {  	[sflag:s25] =	ssyncset.done $0x0  }
0x19: {  	s28 =	rddreg [dreg:$0x6];
	[sflag:s25] =	ssyncadd.s32 $0xFFFF9C00  }
0x1a: {  	[tilespmem:s14], [sflag:$0x15] =	stream.linear.gather [hbm4b:s28+s26], $0x80, $0x38;
	[tilespmem:$0x13480] =	vst v63  }
0x1b: {  	_ =	swait.ge [sflag:s25], $0x80  }
0x1c: {  	[sflag:s25] =	ssyncset.done $0x0  }
0x1d: {  	s18 =	simm.s32 $0x10480;
	s30 =	rddreg [dreg:$0x4];
	[sflag:s25] =	ssyncadd.s32 $0xFFFFFF80  }
0x1e: {  	[tilespmem:s18], [sflag:$0x15] =	stream.linear.gather [hbm4b:s30+s26], $0x1000, $0x38;
	[tilespmem:$0x13480] =	vst v63  }
0x1f: {  	_ =	swait.ge [sflag:s25], $0x1000  }
0x20: {  	[sflag:s25] =	ssyncset.done $0x0  }
0x21: {  	[sflag:s25] =	ssyncadd.s32 $0xFFFFF000  }
0x22: {  	[spmem:s12] =	stream.linear.scatter [tilespmem:s18], [sflag:$0x15], $0x1000, $0x38;
	[tilespmem:$0x13480] =	vst v63  }
0x23: {  	_ =	swait.ge [sflag:s25], $0x1000  }
0x24: {  	[sflag:s25] =	ssyncset.done $0x0  }
0x25: {  	s23 =	simm.s32 $0x6480;
	[sflag:s25] =	ssyncadd.s32 $0xFFFFF000  }
0x26: {  	[tilespmem:s23], [sflag:$0x1] =	stream.indirect.gather [hbm4b:s4+s11], $0x20, s26, s11, $0xb8;
	[tilespmem:$0x13480] =	vst v63  }
0x27: {  	s0 =	simm.s32 $0x7480  }
0x28: {  	[tilespmem:s0], [sflag:$0x2] =	stream.indirect.gather [hbm4b:s4+s11], $0x20, s11, s11, $0xb8;
	[tilespmem:$0x13480] =	vst v63  }
0x29: {  	s18 =	simm.s32 $0x100;
	s12 =	simm.s32 $0x8480  }
0x2a: {  	[tilespmem:s12], [sflag:$0x3] =	stream.indirect.gather [hbm4b:s4+s11], $0x20, s18, s11, $0xb8;
	[tilespmem:$0x13480] =	vst v63  }
0x2b: {  	s20 =	simm.s32 $0x180;
	s18 =	simm.s32 $0x9480  }
0x2c: {  	[tilespmem:s18], [sflag:$0x4] =	stream.indirect.gather [hbm4b:s4+s11], $0x20, s20, s11, $0xb8;
	[tilespmem:$0x13480] =	vst v63  }
0x2d: {  	s22 =	simm.s32 $0x200;
	s20 =	simm.s32 $0xA480  }
0x2e: {  	[tilespmem:s20], [sflag:$0x5] =	stream.indirect.gather [hbm4b:s4+s11], $0x20, s22, s11, $0xb8;
	[tilespmem:$0x13480] =	vst v63  }
0x2f: {  	s24 =	simm.s32 $0x280;
	s22 =	simm.s32 $0xB480  }
0x30: {  	[tilespmem:s22], [sflag:$0x6] =	stream.indirect.gather [hbm4b:s4+s11], $0x20, s24, s11, $0xb8;
	[tilespmem:$0x13480] =	vst v63  }
0x31: {  	s25 =	simm.s32 $0x300;
	s24 =	simm.s32 $0xC480  }
0x32: {  	[tilespmem:s24], [sflag:$0x7] =	stream.indirect.gather [hbm4b:s4+s11], $0x20, s25, s11, $0xb8;
	[tilespmem:$0x13480] =	vst v63  }
0x33: {  	s26 =	simm.s32 $0x380;
	s25 =	simm.s32 $0xD480  }
0x34: {  	[tilespmem:s25], [sflag:$0x8] =	stream.indirect.gather [hbm4b:s4+s11], $0x20, s26, s11, $0xb8;
	[tilespmem:$0x13480] =	vst v63  }
0x35: {  	s28 =	simm.s32 $0x400;
	s26 =	simm.s32 $0xE480  }
0x36: {  	[tilespmem:s26], [sflag:$0x9] =	stream.indirect.gather [hbm4b:s4+s11], $0x20, s28, s11, $0xb8;
	[tilespmem:$0x13480] =	vst v63  }
0x37: {  	s30 =	simm.s32 $0x480;
	s28 =	simm.s32 $0xF480  }
0x38: {  	[tilespmem:s28], [sflag:$0xA] =	stream.indirect.gather [hbm4b:s4+s11], $0x20, s30, s11, $0xb8;
	[tilespmem:$0x13480] =	vst v63  }
0x39: {  	s30 =	simm.s32 $0x1  }
0x3a: {  	_ =	swait.ge [sflag:s30], $0x1000  }
0x3b: {  	[sflag:s30] =	ssyncset.done $0x0  }
0x3c: {  	[sflag:s30] =	ssyncadd.s32 $0xFFFFF000;
	s30 =	simm.s32 $0x2  }
0x3d: {  	[spmem:s2] =	stream.indirect.scatter.add.f32 [tilespmem:s23], [sflag:$0xB], $0x20, s14, s11, $0xb8;
	[tilespmem:$0x13480] =	vst v63  }
0x3e: {  	_ =	swait.ge [sflag:s30], $0x1000  }
0x3f: {  	[sflag:s30] =	ssyncset.done $0x0  }
0x40: {  	[sflag:s30] =	ssyncadd.s32 $0xFFFFF000;
	s30 =	simm.s32 $0x3  }
0x41: {  	[spmem:s2] =	stream.indirect.scatter.add.f32 [tilespmem:s0], [sflag:$0xC], $0x20, s14, s11, $0xb8;
	[tilespmem:$0x13480] =	vst v63  }
0x42: {  	_ =	swait.ge [sflag:s30], $0x1000  }
0x43: {  	[sflag:s30] =	ssyncset.done $0x0  }
0x44: {  	[sflag:s30] =	ssyncadd.s32 $0xFFFFF000;
	s30 =	simm.s32 $0x4  }
0x45: {  	[spmem:s2] =	stream.indirect.scatter.add.f32 [tilespmem:s12], [sflag:$0xD], $0x20, s14, s11, $0xb8;
	[tilespmem:$0x13480] =	vst v63  }
0x46: {  	_ =	swait.ge [sflag:s30], $0x1000  }
0x47: {  	[sflag:s30] =	ssyncset.done $0x0  }
0x48: {  	[sflag:s30] =	ssyncadd.s32 $0xFFFFF000;
	s30 =	simm.s32 $0x5  }
0x49: {  	[spmem:s2] =	stream.indirect.scatter.add.f32 [tilespmem:s18], [sflag:$0xE], $0x20, s14, s11, $0xb8;
	[tilespmem:$0x13480] =	vst v63  }
0x4a: {  	_ =	swait.ge [sflag:s30], $0x1000  }
0x4b: {  	[sflag:s30] =	ssyncset.done $0x0  }
0x4c: {  	[sflag:s30] =	ssyncadd.s32 $0xFFFFF000;
	s30 =	simm.s32 $0x6  }
0x4d: {  	[spmem:s2] =	stream.indirect.scatter.add.f32 [tilespmem:s20], [sflag:$0xF], $0x20, s14, s11, $0xb8;
	[tilespmem:$0x13480] =	vst v63  }
0x4e: {  	_ =	swait.ge [sflag:s30], $0x1000  }
0x4f: {  	[sflag:s30] =	ssyncset.done $0x0  }
0x50: {  	[sflag:s30] =	ssyncadd.s32 $0xFFFFF000  }
0x51: {  	[spmem:s2] =	stream.indirect.scatter.add.f32 [tilespmem:s22], [sflag:$0x10], $0x20, s14, s11, $0xb8;
	[tilespmem:$0x13480] =	vst v63  }
0x52: {  	_ =	swait.ge [sflag:s31], $0x1000  }
0x53: {  	[sflag:s31] =	ssyncset.done $0x0  }
0x54: {  	[sflag:s31] =	ssyncadd.s32 $0xFFFFF000  }
0x55: {  	[spmem:s2] =	stream.indirect.scatter.add.f32 [tilespmem:s24], [sflag:$0x11], $0x20, s14, s11, $0xb8;
	[tilespmem:$0x13480] =	vst v63  }
0x56: {  	_ =	swait.ge [sflag:s1], $0x1000  }
0x57: {  	[sflag:s1] =	ssyncset.done $0x0  }
0x58: {  	[sflag:s1] =	ssyncadd.s32 $0xFFFFF000  }
0x59: {  	[spmem:s2] =	stream.indirect.scatter.add.f32 [tilespmem:s25], [sflag:$0x12], $0x20, s14, s11, $0xb8;
	[tilespmem:$0x13480] =	vst v63  }
0x5a: {  	_ =	swait.ge [sflag:s5], $0x1000  }
0x5b: {  	[sflag:s5] =	ssyncset.done $0x0  }
0x5c: {  	[sflag:s5] =	ssyncadd.s32 $0xFFFFF000  }
0x5d: {  	[spmem:s2] =	stream.indirect.scatter.add.f32 [tilespmem:s26], [sflag:$0x13], $0x20, s14, s11, $0xb8;
	[tilespmem:$0x13480] =	vst v63  }
0x5e: {  	_ =	swait.ge [sflag:s6], $0x1000  }
0x5f: {  	[sflag:s6] =	ssyncset.done $0x0  }
0x60: {  	[sflag:s6] =	ssyncadd.s32 $0xFFFFF000  }
0x61: {  	[spmem:s2] =	stream.indirect.scatter.add.f32 [tilespmem:s28], [sflag:$0x14], $0x20, s14, s11, $0xb8;
	[tilespmem:$0x13480] =	vst v63  }
0x62: {  	_ =	swait.ge [sflag:s7], $0x1000  }
0x63: {  	[sflag:s7] =	ssyncset.done $0x0  }
0x64: {  	s28 =	simm.s32 $0x500;
	[sflag:s7] =	ssyncadd.s32 $0xFFFFF000  }
0x65: {  	[tilespmem:s23], [sflag:$0x1] =	stream.indirect.gather [hbm4b:s4+s11], $0x20, s28, s11, $0xb8;
	[tilespmem:$0x13480] =	vst v63  }
0x66: {  	_ =	swait.ge [sflag:s9], $0x1000  }
0x67: {  	[sflag:s9] =	ssyncset.done $0x0  }
0x68: {  	s30 =	simm.s32 $0x580;
	[sflag:s9] =	ssyncadd.s32 $0xFFFFF000  }
0x69: {  	[tilespmem:s0], [sflag:$0x2] =	stream.indirect.gather [hbm4b:s4+s11], $0x20, s30, s11, $0xb8;
	[tilespmem:$0x13480] =	vst v63  }
0x6a: {  	_ =	swait.ge [sflag:s10], $0x1000  }
0x6b: {  	[sflag:s10] =	ssyncset.done $0x0  }
0x6c: {  	s0 =	simm.s32 $0x600;
	[sflag:s10] =	ssyncadd.s32 $0xFFFFF000  }
0x6d: {  	[tilespmem:s12], [sflag:$0x3] =	stream.indirect.gather [hbm4b:s4+s11], $0x20, s0, s11, $0xb8;
	[tilespmem:$0x13480] =	vst v63  }
0x6e: {  	_ =	swait.ge [sflag:s3], $0x1000  }
0x6f: {  	[sflag:s3] =	ssyncset.done $0x0  }
0x70: {  	s12 =	simm.s32 $0x680;
	[sflag:s3] =	ssyncadd.s32 $0xFFFFF000  }
0x71: {  	[tilespmem:s18], [sflag:$0x4] =	stream.indirect.gather [hbm4b:s4+s11], $0x20, s12, s11, $0xb8;
	[tilespmem:$0x13480] =	vst v63  }
0x72: {  	_ =	swait.ge [sflag:s8], $0x1000  }
0x73: {  	[sflag:s8] =	ssyncset.done $0x0  }
0x74: {  	s18 =	simm.s32 $0x700;
	[sflag:s8] =	ssyncadd.s32 $0xFFFFF000  }
0x75: {  	[tilespmem:s20], [sflag:$0x5] =	stream.indirect.gather [hbm4b:s4+s11], $0x20, s18, s11, $0xb8;
	[tilespmem:$0x13480] =	vst v63  }
0x76: {  	_ =	swait.ge [sflag:s15], $0x1000  }
0x77: {  	[sflag:s15] =	ssyncset.done $0x0  }
0x78: {  	s20 =	simm.s32 $0x780;
	[sflag:s15] =	ssyncadd.s32 $0xFFFFF000  }
0x79: {  	[tilespmem:s22], [sflag:$0x6] =	stream.indirect.gather [hbm4b:s4+s11], $0x20, s20, s11, $0xb8;
	[tilespmem:$0x13480] =	vst v63  }
0x7a: {  	_ =	swait.ge [sflag:s13], $0x1000  }
0x7b: {  	[sflag:s13] =	ssyncset.done $0x0  }
0x7c: {  	s23 =	simm.s32 $0x800;
	[sflag:s13] =	ssyncadd.s32 $0xFFFFF000  }
0x7d: {  	[tilespmem:s24], [sflag:$0x7] =	stream.indirect.gather [hbm4b:s4+s11], $0x20, s23, s11, $0xb8;
	[tilespmem:$0x13480] =	vst v63  }
0x7e: {  	_ =	swait.ge [sflag:s16], $0x1000  }
0x7f: {  	[sflag:s16] =	ssyncset.done $0x0  }
0x80: {  	s28 =	simm.s32 $0x880;
	[sflag:s16] =	ssyncadd.s32 $0xFFFFF000  }
0x81: {  	[tilespmem:s25], [sflag:$0x8] =	stream.indirect.gather [hbm4b:s4+s11], $0x20, s28, s11, $0xb8;
	[tilespmem:$0x13480] =	vst v63  }
0x82: {  	_ =	swait.ge [sflag:s17], $0x1000  }
0x83: {  	[sflag:s17] =	ssyncset.done $0x0  }
0x84: {  	s30 =	simm.s32 $0x900;
	[sflag:s17] =	ssyncadd.s32 $0xFFFFF000  }
0x85: {  	[tilespmem:s26], [sflag:$0x9] =	stream.indirect.gather [hbm4b:s4+s11], $0x20, s30, s11, $0xb8;
	[tilespmem:$0x13480] =	vst v63  }
0x86: {  	_ =	swait.ge [sflag:s19], $0x1000  }
0x87: {  	[sflag:s19] =	ssyncset.done $0x0  }
0x88: {  	s21 =	simm.s32 $0x1400;
	s23 =	simm.s32 $0x980;
	[sflag:s19] =	ssyncadd.s32 $0xFFFFF000  }
.LBB2_2:
0x89: {  	s25 =	simm.s32 $0xF480  }
0x8a: {  	[tilespmem:s25], [sflag:$0xA] =	stream.indirect.gather [hbm4b:s4+s11], $0x20, s23, s11, $0xb8;
	[tilespmem:$0x13480] =	vst v63  }
0x8b: {  	s0 =	simm.s32 $0x1;
	s23 =	smov.u32 s21  }
0x8c: {  	p0 =	sne.s32 s21, $0x16800;
	s21 =	sadd.s32 $0x1400, s21;
	_ =	swait.ge [sflag:s0], $0x1000  }
0x8d: {  	[sflag:s0] =	ssyncset.done $0x0  }
0x8e: {  	s30 =	simm.s32 $0x6480;
	[sflag:s0] =	ssyncadd.s32 $0xFFFFF000;
	s0 =	simm.s32 $0x2  }
0x8f: {  	[spmem:s2] =	stream.indirect.scatter.add.f32 [tilespmem:s30], [sflag:$0xB], $0x20, s14, s11, $0xb8;
	[tilespmem:$0x13480] =	vst v63  }
0x90: {  	_ =	swait.ge [sflag:s0], $0x1000  }
0x91: {  	[sflag:s0] =	ssyncset.done $0x0  }
0x92: {  	s12 =	simm.s32 $0x3;
	[sflag:s0] =	ssyncadd.s32 $0xFFFFF000;
	s0 =	simm.s32 $0x7480  }
0x93: {  	[spmem:s2] =	stream.indirect.scatter.add.f32 [tilespmem:s0], [sflag:$0xC], $0x20, s14, s11, $0xb8;
	[tilespmem:$0x13480] =	vst v63  }
0x94: {  	_ =	swait.ge [sflag:s12], $0x1000  }
0x95: {  	[sflag:s12] =	ssyncset.done $0x0  }
0x96: {  	s18 =	simm.s32 $0x4;
	[sflag:s12] =	ssyncadd.s32 $0xFFFFF000;
	s12 =	simm.s32 $0x8480  }
0x97: {  	[spmem:s2] =	stream.indirect.scatter.add.f32 [tilespmem:s12], [sflag:$0xD], $0x20, s14, s11, $0xb8;
	[tilespmem:$0x13480] =	vst v63  }
0x98: {  	_ =	swait.ge [sflag:s18], $0x1000  }
0x99: {  	[sflag:s18] =	ssyncset.done $0x0  }
0x9a: {  	s20 =	simm.s32 $0x5;
	[sflag:s18] =	ssyncadd.s32 $0xFFFFF000;
	s18 =	simm.s32 $0x9480  }
0x9b: {  	[spmem:s2] =	stream.indirect.scatter.add.f32 [tilespmem:s18], [sflag:$0xE], $0x20, s14, s11, $0xb8;
	[tilespmem:$0x13480] =	vst v63  }
0x9c: {  	_ =	swait.ge [sflag:s20], $0x1000  }
0x9d: {  	[sflag:s20] =	ssyncset.done $0x0  }
0x9e: {  	s22 =	simm.s32 $0x6;
	[sflag:s20] =	ssyncadd.s32 $0xFFFFF000;
	s20 =	simm.s32 $0xA480  }
0x9f: {  	[spmem:s2] =	stream.indirect.scatter.add.f32 [tilespmem:s20], [sflag:$0xF], $0x20, s14, s11, $0xb8;
	[tilespmem:$0x13480] =	vst v63  }
0xa0: {  	_ =	swait.ge [sflag:s22], $0x1000  }
0xa1: {  	[sflag:s22] =	ssyncset.done $0x0  }
0xa2: {  	[sflag:s22] =	ssyncadd.s32 $0xFFFFF000;
	s22 =	simm.s32 $0xB480  }
0xa3: {  	[spmem:s2] =	stream.indirect.scatter.add.f32 [tilespmem:s22], [sflag:$0x10], $0x20, s14, s11, $0xb8;
	[tilespmem:$0x13480] =	vst v63  }
0xa4: {  	_ =	swait.ge [sflag:s31], $0x1000  }
0xa5: {  	[sflag:s31] =	ssyncset.done $0x0  }
0xa6: {  	s24 =	simm.s32 $0xC480;
	[sflag:s31] =	ssyncadd.s32 $0xFFFFF000  }
0xa7: {  	[spmem:s2] =	stream.indirect.scatter.add.f32 [tilespmem:s24], [sflag:$0x11], $0x20, s14, s11, $0xb8;
	[tilespmem:$0x13480] =	vst v63  }
0xa8: {  	_ =	swait.ge [sflag:s1], $0x1000  }
0xa9: {  	[sflag:s1] =	ssyncset.done $0x0  }
0xaa: {  	s26 =	simm.s32 $0xD480;
	[sflag:s1] =	ssyncadd.s32 $0xFFFFF000  }
0xab: {  	[spmem:s2] =	stream.indirect.scatter.add.f32 [tilespmem:s26], [sflag:$0x12], $0x20, s14, s11, $0xb8;
	[tilespmem:$0x13480] =	vst v63  }
0xac: {  	_ =	swait.ge [sflag:s5], $0x1000  }
0xad: {  	[sflag:s5] =	ssyncset.done $0x0  }
0xae: {  	[sflag:s5] =	ssyncadd.s32 $0xFFFFF000  }
0xaf: {  	[spmem:s2] =	stream.indirect.scatter.add.f32 [tilespmem:s29], [sflag:$0x13], $0x20, s14, s11, $0xb8;
	[tilespmem:$0x13480] =	vst v63  }
0xb0: {  	_ =	swait.ge [sflag:s6], $0x1000  }
0xb1: {  	[sflag:s6] =	ssyncset.done $0x0  }
0xb2: {  	[sflag:s6] =	ssyncadd.s32 $0xFFFFF000  }
0xb3: {  	[spmem:s2] =	stream.indirect.scatter.add.f32 [tilespmem:s25], [sflag:$0x14], $0x20, s14, s11, $0xb8;
	[tilespmem:$0x13480] =	vst v63  }
0xb4: {  	_ =	swait.ge [sflag:s7], $0x1000  }
0xb5: {  	s23 =	sshra.s32 s23, $0x2;
	[sflag:s7] =	ssyncset.done $0x0  }
0xb6: {  	s28 =	simm.s32 $0x6480;
	s25 =	sadd.s32 $0x500, s23;
	[sflag:s7] =	ssyncadd.s32 $0xFFFFF000  }
0xb7: {  	[tilespmem:s30], [sflag:$0x1] =	stream.indirect.gather [hbm4b:s4+s11], $0x20, s25, s11, $0xb8;
	[tilespmem:$0x13480] =	vst v63  }
0xb8: {  	_ =	swait.ge [sflag:s9], $0x1000  }
0xb9: {  	[sflag:s9] =	ssyncset.done $0x0  }
0xba: {  	s25 =	sadd.s32 $0x580, s23;
	s30 =	simm.s32 $0x7480;
	[sflag:s9] =	ssyncadd.s32 $0xFFFFF000  }
0xbb: {  	[tilespmem:s0], [sflag:$0x2] =	stream.indirect.gather [hbm4b:s4+s11], $0x20, s25, s11, $0xb8;
	[tilespmem:$0x13480] =	vst v63  }
0xbc: {  	_ =	swait.ge [sflag:s10], $0x1000  }
0xbd: {  	[sflag:s10] =	ssyncset.done $0x0  }
0xbe: {  	s25 =	sadd.s32 $0x600, s23;
	s0 =	simm.s32 $0x8480;
	[sflag:s10] =	ssyncadd.s32 $0xFFFFF000  }
0xbf: {  	[tilespmem:s12], [sflag:$0x3] =	stream.indirect.gather [hbm4b:s4+s11], $0x20, s25, s11, $0xb8;
	[tilespmem:$0x13480] =	vst v63  }
0xc0: {  	_ =	swait.ge [sflag:s3], $0x1000  }
0xc1: {  	[sflag:s3] =	ssyncset.done $0x0  }
0xc2: {  	s25 =	sadd.s32 $0x680, s23;
	s12 =	simm.s32 $0x9480;
	[sflag:s3] =	ssyncadd.s32 $0xFFFFF000  }
0xc3: {  	[tilespmem:s18], [sflag:$0x4] =	stream.indirect.gather [hbm4b:s4+s11], $0x20, s25, s11, $0xb8;
	[tilespmem:$0x13480] =	vst v63  }
0xc4: {  	_ =	swait.ge [sflag:s8], $0x1000  }
0xc5: {  	[sflag:s8] =	ssyncset.done $0x0  }
0xc6: {  	s25 =	sadd.s32 $0x700, s23;
	s18 =	simm.s32 $0xA480;
	[sflag:s8] =	ssyncadd.s32 $0xFFFFF000  }
0xc7: {  	[tilespmem:s20], [sflag:$0x5] =	stream.indirect.gather [hbm4b:s4+s11], $0x20, s25, s11, $0xb8;
	[tilespmem:$0x13480] =	vst v63  }
0xc8: {  	_ =	swait.ge [sflag:s15], $0x1000  }
0xc9: {  	[sflag:s15] =	ssyncset.done $0x0  }
0xca: {  	s25 =	sadd.s32 $0x780, s23;
	s20 =	simm.s32 $0xB480;
	[sflag:s15] =	ssyncadd.s32 $0xFFFFF000  }
0xcb: {  	[tilespmem:s22], [sflag:$0x6] =	stream.indirect.gather [hbm4b:s4+s11], $0x20, s25, s11, $0xb8;
	[tilespmem:$0x13480] =	vst v63  }
0xcc: {  	_ =	swait.ge [sflag:s13], $0x1000  }
0xcd: {  	[sflag:s13] =	ssyncset.done $0x0  }
0xce: {  	s25 =	sadd.s32 $0x800, s23;
	s22 =	simm.s32 $0xC480;
	[sflag:s13] =	ssyncadd.s32 $0xFFFFF000  }
0xcf: {  	[tilespmem:s24], [sflag:$0x7] =	stream.indirect.gather [hbm4b:s4+s11], $0x20, s25, s11, $0xb8;
	[tilespmem:$0x13480] =	vst v63  }
0xd0: {  	_ =	swait.ge [sflag:s16], $0x1000  }
0xd1: {  	[sflag:s16] =	ssyncset.done $0x0  }
0xd2: {  	s25 =	sadd.s32 $0x880, s23;
	s24 =	simm.s32 $0xD480;
	[sflag:s16] =	ssyncadd.s32 $0xFFFFF000  }
0xd3: {  	[tilespmem:s26], [sflag:$0x8] =	stream.indirect.gather [hbm4b:s4+s11], $0x20, s25, s11, $0xb8;
	[tilespmem:$0x13480] =	vst v63  }
0xd4: {  	_ =	swait.ge [sflag:s17], $0x1000  }
0xd5: {  	s25 =	sadd.s32 $0x900, s23;
	[sflag:s17] =	ssyncset.done $0x0  }
.Ltmp0:
0xd6: {  	s26 =	simm.s32 $0xE480;
	[sflag:s17] =	ssyncadd.s32 $0xFFFFF000;
	(pc) =	sbr.rel @p0 .LBB2_2-.Ltmp0, $4  }
0xd7: {  	[tilespmem:s29], [sflag:$0x9] =	stream.indirect.gather [hbm4b:s4+s11], $0x20, s25, s11, $0xb8;
	[tilespmem:$0x13480] =	vst v63  }
0xd8: {  	_ =	swait.ge [sflag:s19], $0x1000  }
0xd9: {  	[sflag:s19] =	ssyncset.done $0x0  }
0xda: {  	s23 =	sadd.s32 $0x980, s23;
	[sflag:s19] =	ssyncadd.s32 $0xFFFFF000  }
0xdb: {  	s21 =	simm.s32 $0xF480;
	s25 =	simm.s32 $0x1  }
0xdc: {  	[tilespmem:s21], [sflag:$0xA] =	stream.indirect.gather [hbm4b:s4+s11], $0x20, s23, s11, $0xb8;
	[tilespmem:$0x13480] =	vst v63  }
0xdd: {  	_ =	swait.ge [sflag:s25], $0x1000  }
0xde: {  	[sflag:s25] =	ssyncset.done $0x0  }
0xdf: {  	[sflag:s25] =	ssyncadd.s32 $0xFFFFF000;
	s25 =	simm.s32 $0x2  }
0xe0: {  	[spmem:s2] =	stream.indirect.scatter.add.f32 [tilespmem:s28], [sflag:$0xB], $0x20, s14, s11, $0xb8;
	[tilespmem:$0x13480] =	vst v63  }
0xe1: {  	_ =	swait.ge [sflag:s25], $0x1000  }
0xe2: {  	[sflag:s25] =	ssyncset.done $0x0  }
0xe3: {  	s28 =	simm.s32 $0x3;
	[sflag:s25] =	ssyncadd.s32 $0xFFFFF000  }
0xe4: {  	[spmem:s2] =	stream.indirect.scatter.add.f32 [tilespmem:s30], [sflag:$0xC], $0x20, s14, s11, $0xb8;
	[tilespmem:$0x13480] =	vst v63  }
0xe5: {  	_ =	swait.ge [sflag:s28], $0x1000  }
0xe6: {  	[sflag:s28] =	ssyncset.done $0x0  }
0xe7: {  	s30 =	simm.s32 $0x4;
	[sflag:s28] =	ssyncadd.s32 $0xFFFFF000  }
0xe8: {  	[spmem:s2] =	stream.indirect.scatter.add.f32 [tilespmem:s0], [sflag:$0xD], $0x20, s14, s11, $0xb8;
	[tilespmem:$0x13480] =	vst v63  }
0xe9: {  	_ =	swait.ge [sflag:s30], $0x1000  }
0xea: {  	[sflag:s30] =	ssyncset.done $0x0  }
0xeb: {  	[sflag:s30] =	ssyncadd.s32 $0xFFFFF000  }
0xec: {  	[spmem:s2] =	stream.indirect.scatter.add.f32 [tilespmem:s12], [sflag:$0xE], $0x20, s14, s11, $0xb8;
	[tilespmem:$0x13480] =	vst v63  }
0xed: {  	s12 =	simm.s32 $0x5  }
0xee: {  	_ =	swait.ge [sflag:s12], $0x1000  }
0xef: {  	[sflag:s12] =	ssyncset.done $0x0  }
0xf0: {  	[sflag:s12] =	ssyncadd.s32 $0xFFFFF000  }
0xf1: {  	[spmem:s2] =	stream.indirect.scatter.add.f32 [tilespmem:s18], [sflag:$0xF], $0x20, s14, s11, $0xb8;
	[tilespmem:$0x13480] =	vst v63  }
0xf2: {  	s18 =	simm.s32 $0x6  }
0xf3: {  	_ =	swait.ge [sflag:s18], $0x1000  }
0xf4: {  	[sflag:s18] =	ssyncset.done $0x0  }
0xf5: {  	[sflag:s18] =	ssyncadd.s32 $0xFFFFF000  }
0xf6: {  	[spmem:s2] =	stream.indirect.scatter.add.f32 [tilespmem:s20], [sflag:$0x10], $0x20, s14, s11, $0xb8;
	[tilespmem:$0x13480] =	vst v63  }
0xf7: {  	_ =	swait.ge [sflag:s31], $0x1000  }
0xf8: {  	[sflag:s31] =	ssyncset.done $0x0  }
0xf9: {  	[sflag:s31] =	ssyncadd.s32 $0xFFFFF000  }
0xfa: {  	[spmem:s2] =	stream.indirect.scatter.add.f32 [tilespmem:s22], [sflag:$0x11], $0x20, s14, s11, $0xb8;
	[tilespmem:$0x13480] =	vst v63  }
0xfb: {  	_ =	swait.ge [sflag:s1], $0x1000  }
0xfc: {  	[sflag:s1] =	ssyncset.done $0x0  }
0xfd: {  	[sflag:s1] =	ssyncadd.s32 $0xFFFFF000  }
0xfe: {  	[spmem:s2] =	stream.indirect.scatter.add.f32 [tilespmem:s24], [sflag:$0x12], $0x20, s14, s11, $0xb8;
	[tilespmem:$0x13480] =	vst v63  }
0xff: {  	_ =	swait.ge [sflag:s5], $0x1000  }
0x100: {  	[sflag:s5] =	ssyncset.done $0x0  }
0x101: {  	[sflag:s5] =	ssyncadd.s32 $0xFFFFF000  }
0x102: {  	[spmem:s2] =	stream.indirect.scatter.add.f32 [tilespmem:s26], [sflag:$0x13], $0x20, s14, s11, $0xb8;
	[tilespmem:$0x13480] =	vst v63  }
0x103: {  	_ =	swait.ge [sflag:s6], $0x1000  }
0x104: {  	[sflag:s6] =	ssyncset.done $0x0  }
0x105: {  	[sflag:s6] =	ssyncadd.s32 $0xFFFFF000  }
0x106: {  	[spmem:s2] =	stream.indirect.scatter.add.f32 [tilespmem:s21], [sflag:$0x14], $0x20, s14, s11, $0xb8;
	[tilespmem:$0x13480] =	vst v63  }
0x107: {  	_ =	swait.ge [sflag:s7], $0x1000  }
0x108: {  	[sflag:s7] =	ssyncset.done $0x0  }
0x109: {  	[sflag:s7] =	ssyncadd.s32 $0xFFFFF000  }
0x10a: {  	_ =	swait.ge [sflag:s9], $0x1000  }
0x10b: {  	[sflag:s9] =	ssyncset.done $0x0  }
0x10c: {  	[sflag:s9] =	ssyncadd.s32 $0xFFFFF000  }
0x10d: {  	_ =	swait.ge [sflag:s10], $0x1000  }
0x10e: {  	[sflag:s10] =	ssyncset.done $0x0  }
0x10f: {  	[sflag:s10] =	ssyncadd.s32 $0xFFFFF000  }
0x110: {  	_ =	swait.ge [sflag:s3], $0x1000  }
0x111: {  	[sflag:s3] =	ssyncset.done $0x0  }
0x112: {  	[sflag:s3] =	ssyncadd.s32 $0xFFFFF000  }
0x113: {  	_ =	swait.ge [sflag:s8], $0x1000  }
0x114: {  	[sflag:s8] =	ssyncset.done $0x0  }
0x115: {  	[sflag:s8] =	ssyncadd.s32 $0xFFFFF000  }
0x116: {  	_ =	swait.ge [sflag:s15], $0x1000  }
0x117: {  	[sflag:s15] =	ssyncset.done $0x0  }
0x118: {  	[sflag:s15] =	ssyncadd.s32 $0xFFFFF000  }
0x119: {  	_ =	swait.ge [sflag:s13], $0x1000  }
0x11a: {  	[sflag:s13] =	ssyncset.done $0x0  }
0x11b: {  	[sflag:s13] =	ssyncadd.s32 $0xFFFFF000  }
0x11c: {  	_ =	swait.ge [sflag:s16], $0x1000  }
0x11d: {  	[sflag:s16] =	ssyncset.done $0x0  }
0x11e: {  	[sflag:s16] =	ssyncadd.s32 $0xFFFFF000  }
0x11f: {  	_ =	swait.ge [sflag:s17], $0x1000  }
0x120: {  	[sflag:s17] =	ssyncset.done $0x0  }
0x121: {  	[sflag:s17] =	ssyncadd.s32 $0xFFFFF000  }
0x122: {  	_ =	swait.ge [sflag:s19], $0x1000  }
0x123: {  	s25 =	simm.s32 $0x10480;
	[sflag:s19] =	ssyncset.done $0x0  }
0x124: {  	s22 =	simm.s32 $0x15;
	s12 =	rddreg [dreg:$0x7];
	[sflag:s19] =	ssyncadd.s32 $0xFFFFF000  }
0x125: {  	[tilespmem:s25], [sflag:$0x15] =	stream.linear.gather [spmem:s12], $0x1000, $0x38;
	[tilespmem:$0x13480] =	vst v63  }
0x126: {  	_ =	swait.ge [sflag:s22], $0x1000  }
0x127: {  	[sflag:s22] =	ssyncset.done $0x0  }
0x128: {  	s26 =	simm.s32 $0x20;
	s24 =	rddreg [dreg:$0x8];
	[sflag:s22] =	ssyncadd.s32 $0xFFFFF000  }
0x129: {  	[hbm4b:s24+s26] =	stream.strided.scatter [tilespmem:s25], [sflag:$0x15], $0x1000, s11, s26, $0x38;
	[tilespmem:$0x13480] =	vst v63  }
0x12a: {  	_ =	swait.ge [sflag:s22], $0x1000  }
0x12b: {  	s28 =	rddreg [dreg:$0xa]  }
0x12c: {  	s30 =	rddreg [dreg:$0x9];
	s0 =	sadd.s32 $0x1, s28  }
0x12d: {  	p0 =	sne.s32 s0, s30  }
.Ltmp1:
0x12e: {  	_ = 	snop;
	(pc) =	sbr.rel @p0 .LBB2_1-.Ltmp1, $3  }
0x12f: {  	_ =	sdelay $0x1  }
0x130: {  	[sflag:s22] =	ssyncset.done $0x0  }
0x131: {  	[sflag:s22] =	ssyncadd.s32 $0xFFFFF000  }
0x132: {  	_ =	sfence.sel $0x180000  }
0x133: {  	[bflag:$0x0] =	sbarrier.arrive $0xFFFF  }
0x134: {  	_ =	strace $0x90000047  }
0x135: {  	s0 =	stileid.u32;
	[bflag:$0x2] =	sbarrier.arrive $0xFFFF  }
0x136: {  	p0 =	sne.s32 s0, $0x0;
	s0 =	rddreg [dreg:$0x3]  }
0x137: {  	s0 =	sadd.s32 @!p0 $0x100000, s0  }
0x138: {  	[sflag:s0] =	ssyncadd.tile.s32 @!p0 $0x1;
	_ =	shalt  }
.Lfunc_end2:
_tile_overlayer_lowered:
.L_overlay_start_2:
0x139: {  	(tag) =	ssettag $0x2  }
0x13a: {  	s0 =	rddreg [dreg:$0x0];
	s2 =	stileid.u32  }
0x13b: {  	s1 =	rddreg [dreg:$0x1];
	p0 =	sne.s32 s2, $0x0  }
0x13c: {  	s3 =	rddreg [dreg:$0x2];
	[bflag:$0x3] =	sbarrier.arrive $0xFFFF;
	s2 =	simm.s32 @!p0 $0x1C15  }
0x13d: {  	[timem:s3], [sflag:s2] =	dma.local @!p0 [hbm:s0], s1  }
0x13e: {  	s0 =	simm.s32 @!p0 $0x15  }
0x13f: {  	_ =	swait.ge @!p0 [sflag:s0], s1  }
0x140: {  	s1 =	ssub.s32 @!p0 $0x0, s1;
	[sflag:s0] =	ssyncset.done @!p0 $0x0  }
0x141: {  	[sflag:s0] =	ssyncadd.s32 @!p0 s1  }
0x142: {  	[bflag:$0x3] =	sbarrier.arrive $0xFFFF  }
0x143: {  	_ =	shalt  }

</sc_bundles>
